<compile_context>
chip_gen: v7x
topology: tpu7x:2x2x1
jax: 0.10.2.dev20260603
libtpu: 0.0.44.dev20260713+nightly
codegen_flags: <defaults>
</compile_context>

<pallas_src>
import functools

import jax
import jax.numpy as jnp
from jax import lax
from jax.experimental import pallas as pl
from jax.experimental.pallas import tpu as pltpu
from jax.experimental.pallas import tpu_sc as plsc

D = 512
T = 4096
S = 50
SP = 56
ST = 48
NT = S - ST
NC = 2
NS = 16
NW = NC * NS
TPW = T // NW
G = 2
NBANK = TPW // G
NPAIR = NBANK // 2
TR = TPW * NT
TC_ = 32
NTCH = TR // TC_

_mesh = plsc.VectorSubcoreMesh(core_axis_name="c", subcore_axis_name="s")


@functools.partial(
    pl.kernel,
    mesh=_mesh,
    out_type=(
        jax.ShapeDtypeStruct((T, S, D), jnp.float32),
        jax.ShapeDtypeStruct((T * NT, D), jnp.float32),
    ),
    scratch_types=[
        pltpu.VMEM((TPW * SP,), jnp.int32),
        pltpu.VMEM((TR,), jnp.int32),
        pltpu.VMEM((2, G, S, D), jnp.float32),
        pltpu.SemaphoreType.DMA,
        pltpu.SemaphoreType.DMA,
    ],
)
def _embed_gather(xp_hbm, xt_hbm, table_hbm, out_hbm, tails_hbm,
                  idx_v, xt_v, rows_v, sem0, sem1):
    wid = lax.axis_index("s") * NC + lax.axis_index("c")
    tok0 = wid * TPW
    pltpu.sync_copy(xp_hbm.at[pl.ds(tok0 * SP, TPW * SP)], idx_v)
    pltpu.sync_copy(xt_hbm.at[pl.ds(wid * TR, TR)], xt_v)
    sems = (sem0, sem1)

    def gather_bank(k, b):
        for g in range(G):
            pltpu.async_copy(
                table_hbm.at[idx_v.at[pl.ds((G * k + g) * SP, S)]],
                rows_v.at[b, g],
                sems[b],
            )

    def wait_bank(k, b):
        for g in range(G):
            pltpu.make_async_copy(
                table_hbm.at[idx_v.at[pl.ds((G * k + g) * SP, S)]],
                rows_v.at[b, g],
                sems[b],
            ).wait()

    gather_bank(0, 0)
    gather_bank(1, 1)

    def step(i, carry):
        for b in range(2):
            k = 2 * i + b
            wait_bank(k, b)
            pltpu.sync_copy(rows_v.at[b], out_hbm.at[pl.ds(tok0 + G * k, G)])

            @pl.when(i < NPAIR - 1)
            def _():
                gather_bank(k + 2, b)

        return carry

    lax.fori_loop(0, NPAIR, step, 0)

    def tbuf(b):
        return rows_v.at[b, 0].at[pl.ds(0, TC_)]

    def tgather(q, b):
        pltpu.async_copy(
            table_hbm.at[xt_v.at[pl.ds(TC_ * q, TC_)]], tbuf(b), sems[b]
        )

    def twait(q, b):
        pltpu.make_async_copy(
            table_hbm.at[xt_v.at[pl.ds(TC_ * q, TC_)]], tbuf(b), sems[b]
        ).wait()

    tgather(0, 0)
    tgather(1, 1)
    for q in range(NTCH):
        b = q % 2
        twait(q, b)
        pltpu.sync_copy(tbuf(b), tails_hbm.at[pl.ds(wid * TR + TC_ * q, TC_)])
        if q + 2 < NTCH:
            tgather(q + 2, b)


BT = 128


def _patch_body(tails_ref, outin_ref, out_ref):
    del outin_ref
    out_ref[:, :NT, :] = tails_ref[...].reshape(BT, NT, D)


_patch = pl.pallas_call(
    _patch_body,
    grid=(T // BT,),
    in_specs=[
        pl.BlockSpec((BT * NT, D), lambda i: (i, 0)),
        pl.BlockSpec((BT, 8, D), lambda i: (i, ST // 8, 0)),
    ],
    out_specs=pl.BlockSpec((BT, 8, D), lambda i: (i, ST // 8, 0)),
    out_shape=jax.ShapeDtypeStruct((T, S, D), jnp.float32),
    input_output_aliases={1: 0},
)


def kernel(x, table):
    xp = jnp.pad(x, ((0, 0), (0, SP - S))).reshape(-1)
    xt = x[:, ST:].reshape(-1)
    out, tails = _embed_gather(xp, xt, table)
    return _patch(tails, out)

# --- scband reference (transcript-rebuilt; emitter-appended) ---
"""Pipeline reference for scband-embedder-66546223284293 (READ-ONLY COPY).

The authoritative reference and input builder live on the scoring server;
editing this copy changes nothing except your own understanding.
"""

import jax, jax.numpy as jnp
import numpy as np

VOCAB = 100000
D_MODEL = 512

def setup_inputs(seed: int = 0) -> dict:
    key = jax.random.key(seed)
    k_idx, k_tab = jax.random.split(key)
    x = jax.random.randint(k_idx, (4096, 50), 0, VOCAB, dtype=jnp.int64 if jax.config.read('jax_enable_x64') else jnp.int32)
    # embedding table initialized like nn.Embedding (N(0,1))
    table = jax.random.normal(k_tab, (VOCAB, D_MODEL), dtype=jnp.float32)
    return {"x": x, "table": table}

def reference(x, table):
    # out = self.embed(x)  -> gather rows of embedding table
    out = jnp.take(table, x, axis=0)
    return out

if __name__ == "__main__":
    import jax
    _d = setup_inputs()
    print(jax.jit(kernel)(*tuple(_d.values())))

</pallas_src>

<mosaic_0001>
#map = affine_map<(d0, d1) -> (0)>
#map1 = affine_map<(d0, d1) -> (0, 0)>
#map2 = affine_map<(d0, d1) -> (0, 0, 0)>
module attributes {stable_mosaic.version = 14 : i64} {
  func.func @_embed_gather(%arg0: i32, %arg1: i32, %arg2: memref<229376xi32, #tpu.memory_space<hbm>>, %arg3: memref<8192xi32, #tpu.memory_space<hbm>>, %arg4: memref<100000x512xf32, #tpu.memory_space<hbm>>, %arg5: memref<4096x50x512xf32, #tpu.memory_space<hbm>>, %arg6: memref<8192x512xf32, #tpu.memory_space<hbm>>, %arg7: memref<7168xi32, #tpu.memory_space<vmem>>, %arg8: memref<256xi32, #tpu.memory_space<vmem>>, %arg9: memref<2x2x50x512xf32, #tpu.memory_space<vmem>>, %arg10: memref<!tpu.dma_semaphore, #tpu.memory_space<semaphore_mem>>, %arg11: memref<!tpu.dma_semaphore, #tpu.memory_space<semaphore_mem>>) attributes {dimension_semantics = [#tpu.dimension_semantics<core_parallel>, #tpu.dimension_semantics<subcore_parallel>], iteration_bounds = array<i64: 2, 16>, scalar_prefetch = 0 : i64, scratch_operands = 5 : i64, tpu.core_type = #tpu.core_type<sc_vector_subcore>, window_params = [{transform_indices = #map}, {transform_indices = #map}, {transform_indices = #map1}, {transform_indices = #map2}, {transform_indices = #map1}]} {
    %mul3A = arith.constant 2 : i32
    %mul3A_0 = arith.muli %arg1, %mul3A : i32
    %add3A = arith.addi %mul3A_0, %arg0 : i32
    %mul3A_1 = arith.constant 128 : i32
    %mul3A_2 = arith.muli %add3A, %mul3A_1 : i32
    %mul3A_3 = arith.constant 56 : i32
    %mul3A_4 = arith.muli %mul3A_2, %mul3A_3 : i32
    "tpu.region"() ({
      %run_scoped3A_325 = tpu.sem_alloc : memref<!tpu.dma_semaphore, #tpu.memory_space<semaphore_mem>>
      %dma_start3A_326 = tpu.memref_slice %arg2[%mul3A_4] : memref<229376xi32, #tpu.memory_space<hbm>> -> memref<7168xi32, #tpu.memory_space<hbm>>
      %dma_start3A_327 = tpu.memref_slice %arg2[%mul3A_4] : memref<229376xi32, #tpu.memory_space<hbm>> -> memref<7168xi32, #tpu.memory_space<hbm>>
      tpu.enqueue_dma source(%dma_start3A_327 : memref<7168xi32, #tpu.memory_space<hbm>>) target(%arg7 : memref<7168xi32, #tpu.memory_space<vmem>>) target_semaphore(%run_scoped3A_325 : memref<!tpu.dma_semaphore, #tpu.memory_space<semaphore_mem>>)
      %dma_wait3A_328 = tpu.memref_slice %arg2[%mul3A_4] : memref<229376xi32, #tpu.memory_space<hbm>> -> memref<7168xi32, #tpu.memory_space<hbm>>
      %dma_wait3A_329 = tpu.memref_slice %arg2[%mul3A_4] : memref<229376xi32, #tpu.memory_space<hbm>> -> memref<7168xi32, #tpu.memory_space<hbm>>
      tpu.wait_dma2 semaphore(%run_scoped3A_325 : memref<!tpu.dma_semaphore, #tpu.memory_space<semaphore_mem>>) src(%dma_wait3A_329 : memref<7168xi32, #tpu.memory_space<hbm>>) dst(%arg7 : memref<7168xi32, #tpu.memory_space<vmem>>)
      tpu.yield
    }) : () -> ()
    %mul3A_5 = arith.constant 256 : i32
    %mul3A_6 = arith.muli %add3A, %mul3A_5 : i32
    "tpu.region"() ({
      %run_scoped3A_325 = tpu.sem_alloc : memref<!tpu.dma_semaphore, #tpu.memory_space<semaphore_mem>>
      %dma_start3A_326 = tpu.memref_slice %arg3[%mul3A_6] : memref<8192xi32, #tpu.memory_space<hbm>> -> memref<256xi32, #tpu.memory_space<hbm>>
      %dma_start3A_327 = tpu.memref_slice %arg3[%mul3A_6] : memref<8192xi32, #tpu.memory_space<hbm>> -> memref<256xi32, #tpu.memory_space<hbm>>
      tpu.enqueue_dma source(%dma_start3A_327 : memref<256xi32, #tpu.memory_space<hbm>>) target(%arg8 : memref<256xi32, #tpu.memory_space<vmem>>) target_semaphore(%run_scoped3A_325 : memref<!tpu.dma_semaphore, #tpu.memory_space<semaphore_mem>>)
      %dma_wait3A_328 = tpu.memref_slice %arg3[%mul3A_6] : memref<8192xi32, #tpu.memory_space<hbm>> -> memref<256xi32, #tpu.memory_space<hbm>>
      %dma_wait3A_329 = tpu.memref_slice %arg3[%mul3A_6] : memref<8192xi32, #tpu.memory_space<hbm>> -> memref<256xi32, #tpu.memory_space<hbm>>
      tpu.wait_dma2 semaphore(%run_scoped3A_325 : memref<!tpu.dma_semaphore, #tpu.memory_space<semaphore_mem>>) src(%dma_wait3A_329 : memref<256xi32, #tpu.memory_space<hbm>>) dst(%arg8 : memref<256xi32, #tpu.memory_space<vmem>>)
      tpu.yield
    }) : () -> ()
    %dma_start3A = arith.constant 0 : i32
    %dma_start3A_7 = arith.constant 0 : i32
    %dma_start3A_8 = arith.constant 0 : i32
    %dma_start3A_9 = arith.constant 0 : i32
    %dma_start3A_10 = tpu.memref_slice %arg9[%dma_start3A, %dma_start3A_7, %dma_start3A_8, %dma_start3A_9] : memref<2x2x50x512xf32, #tpu.memory_space<vmem>> -> memref<1x1x50x512xf32, #tpu.memory_space<vmem>>
    %dma_start3A_11 = tpu.memref_squeeze %dma_start3A_10 : memref<1x1x50x512xf32, #tpu.memory_space<vmem>> -> memref<50x512xf32, #tpu.memory_space<vmem>>
    %dma_start3A_12 = arith.constant 0 : i32
    %dma_start3A_13 = tpu.memref_slice %arg7[%dma_start3A_12] : memref<7168xi32, #tpu.memory_space<vmem>> -> memref<50xi32, #tpu.memory_space<vmem>>
    %dma_start3A_14 = arith.constant 0 : i32
    %dma_start3A_15 = arith.constant 0 : i32
    %dma_start3A_16 = tpu.memref_slice %arg4[%dma_start3A_14, %dma_start3A_15] : memref<100000x512xf32, #tpu.memory_space<hbm>> -> memref<100000x512xf32, #tpu.memory_space<hbm>>
    tpu.enqueue_indirect_dma source(%dma_start3A_16 : memref<100000x512xf32, #tpu.memory_space<hbm>>) target(%dma_start3A_11 : memref<50x512xf32, #tpu.memory_space<vmem>>) offsets(%dma_start3A_13 : memref<50xi32, #tpu.memory_space<vmem>>) semaphore(%arg10 : memref<!tpu.dma_semaphore, #tpu.memory_space<semaphore_mem>>)
    %dma_start3A_17 = arith.constant 0 : i32
    %dma_start3A_18 = arith.constant 1 : i32
    %dma_start3A_19 = arith.constant 0 : i32
    %dma_start3A_20 = arith.constant 0 : i32
    %dma_start3A_21 = tpu.memref_slice %arg9[%dma_start3A_17, %dma_start3A_18, %dma_start3A_19, %dma_start3A_20] : memref<2x2x50x512xf32, #tpu.memory_space<vmem>> -> memref<1x1x50x512xf32, #tpu.memory_space<vmem>>
    %dma_start3A_22 = tpu.memref_squeeze %dma_start3A_21 : memref<1x1x50x512xf32, #tpu.memory_space<vmem>> -> memref<50x512xf32, #tpu.memory_space<vmem>>
    %dma_start3A_23 = arith.constant 56 : i32
    %dma_start3A_24 = tpu.memref_slice %arg7[%dma_start3A_23] : memref<7168xi32, #tpu.memory_space<vmem>> -> memref<50xi32, #tpu.memory_space<vmem>>
    %dma_start3A_25 = arith.constant 0 : i32
    %dma_start3A_26 = arith.constant 0 : i32
    %dma_start3A_27 = tpu.memref_slice %arg4[%dma_start3A_25, %dma_start3A_26] : memref<100000x512xf32, #tpu.memory_space<hbm>> -> memref<100000x512xf32, #tpu.memory_space<hbm>>
    tpu.enqueue_indirect_dma source(%dma_start3A_27 : memref<100000x512xf32, #tpu.memory_space<hbm>>) target(%dma_start3A_22 : memref<50x512xf32, #tpu.memory_space<vmem>>) offsets(%dma_start3A_24 : memref<50xi32, #tpu.memory_space<vmem>>) semaphore(%arg10 : memref<!tpu.dma_semaphore, #tpu.memory_space<semaphore_mem>>)
    %dma_start3A_28 = arith.constant 1 : i32
    %dma_start3A_29 = arith.constant 0 : i32
    %dma_start3A_30 = arith.constant 0 : i32
    %dma_start3A_31 = arith.constant 0 : i32
    %dma_start3A_32 = tpu.memref_slice %arg9[%dma_start3A_28, %dma_start3A_29, %dma_start3A_30, %dma_start3A_31] : memref<2x2x50x512xf32, #tpu.memory_space<vmem>> -> memref<1x1x50x512xf32, #tpu.memory_space<vmem>>
    %dma_start3A_33 = tpu.memref_squeeze %dma_start3A_32 : memref<1x1x50x512xf32, #tpu.memory_space<vmem>> -> memref<50x512xf32, #tpu.memory_space<vmem>>
    %dma_start3A_34 = arith.constant 112 : i32
    %dma_start3A_35 = tpu.memref_slice %arg7[%dma_start3A_34] : memref<7168xi32, #tpu.memory_space<vmem>> -> memref<50xi32, #tpu.memory_space<vmem>>
    %dma_start3A_36 = arith.constant 0 : i32
    %dma_start3A_37 = arith.constant 0 : i32
    %dma_start3A_38 = tpu.memref_slice %arg4[%dma_start3A_36, %dma_start3A_37] : memref<100000x512xf32, #tpu.memory_space<hbm>> -> memref<100000x512xf32, #tpu.memory_space<hbm>>
    tpu.enqueue_indirect_dma source(%dma_start3A_38 : memref<100000x512xf32, #tpu.memory_space<hbm>>) target(%dma_start3A_33 : memref<50x512xf32, #tpu.memory_space<vmem>>) offsets(%dma_start3A_35 : memref<50xi32, #tpu.memory_space<vmem>>) semaphore(%arg11 : memref<!tpu.dma_semaphore, #tpu.memory_space<semaphore_mem>>)
    %dma_start3A_39 = arith.constant 1 : i32
    %dma_start3A_40 = arith.constant 1 : i32
    %dma_start3A_41 = arith.constant 0 : i32
    %dma_start3A_42 = arith.constant 0 : i32
    %dma_start3A_43 = tpu.memref_slice %arg9[%dma_start3A_39, %dma_start3A_40, %dma_start3A_41, %dma_start3A_42] : memref<2x2x50x512xf32, #tpu.memory_space<vmem>> -> memref<1x1x50x512xf32, #tpu.memory_space<vmem>>
    %dma_start3A_44 = tpu.memref_squeeze %dma_start3A_43 : memref<1x1x50x512xf32, #tpu.memory_space<vmem>> -> memref<50x512xf32, #tpu.memory_space<vmem>>
    %dma_start3A_45 = arith.constant 168 : i32
    %dma_start3A_46 = tpu.memref_slice %arg7[%dma_start3A_45] : memref<7168xi32, #tpu.memory_space<vmem>> -> memref<50xi32, #tpu.memory_space<vmem>>
    %dma_start3A_47 = arith.constant 0 : i32
    %dma_start3A_48 = arith.constant 0 : i32
    %dma_start3A_49 = tpu.memref_slice %arg4[%dma_start3A_47, %dma_start3A_48] : memref<100000x512xf32, #tpu.memory_space<hbm>> -> memref<100000x512xf32, #tpu.memory_space<hbm>>
    tpu.enqueue_indirect_dma source(%dma_start3A_49 : memref<100000x512xf32, #tpu.memory_space<hbm>>) target(%dma_start3A_44 : memref<50x512xf32, #tpu.memory_space<vmem>>) offsets(%dma_start3A_46 : memref<50xi32, #tpu.memory_space<vmem>>) semaphore(%arg11 : memref<!tpu.dma_semaphore, #tpu.memory_space<semaphore_mem>>)
    %scan3A = arith.constant 0 : i32
    %scan3A_50 = arith.constant 0 : i32
    %scan3A_51 = arith.constant 32 : i32
    %scan3A_52 = arith.addi %scan3A_50, %scan3A_51 : i32
    %scan3A_53 = arith.constant 1 : i32
    scf.for %scan3A_325 = %scan3A_50 to %scan3A_52 step %scan3A_53  : i32 {
      %mul3A_326 = arith.constant 2 : i32
      %mul3A_327 = arith.muli %mul3A_326, %scan3A_325 : i32
      %add3A_328 = arith.constant 0 : i32
      %add3A_329 = arith.addi %mul3A_327, %add3A_328 : i32
      %mul3A_330 = arith.constant 2 : i32
      %mul3A_331 = arith.muli %mul3A_330, %add3A_329 : i32
      %add3A_332 = arith.constant 0 : i32
      %add3A_333 = arith.addi %mul3A_331, %add3A_332 : i32
      %mul3A_334 = arith.constant 56 : i32
      %mul3A_335 = arith.muli %add3A_333, %mul3A_334 : i32
      %dma_wait3A_336 = arith.constant 0 : i32
      %dma_wait3A_337 = arith.constant 0 : i32
      %dma_wait3A_338 = arith.constant 0 : i32
      %dma_wait3A_339 = arith.constant 0 : i32
      %dma_wait3A_340 = tpu.memref_slice %arg9[%dma_wait3A_336, %dma_wait3A_337, %dma_wait3A_338, %dma_wait3A_339] : memref<2x2x50x512xf32, #tpu.memory_space<vmem>> -> memref<1x1x50x512xf32, #tpu.memory_space<vmem>>
      %dma_wait3A_341 = tpu.memref_squeeze %dma_wait3A_340 : memref<1x1x50x512xf32, #tpu.memory_space<vmem>> -> memref<50x512xf32, #tpu.memory_space<vmem>>
      %dma_wait3A_342 = tpu.memref_slice %arg7[%mul3A_335] : memref<7168xi32, #tpu.memory_space<vmem>> -> memref<50xi32, #tpu.memory_space<vmem>>
      %dma_wait3A_343 = arith.constant 0 : i32
      %dma_wait3A_344 = arith.constant 0 : i32
      %dma_wait3A_345 = tpu.memref_slice %arg4[%dma_wait3A_343, %dma_wait3A_344] : memref<100000x512xf32, #tpu.memory_space<hbm>> -> memref<100000x512xf32, #tpu.memory_space<hbm>>
      tpu.wait_indirect_dma semaphore(%arg10 : memref<!tpu.dma_semaphore, #tpu.memory_space<semaphore_mem>>) src(%dma_wait3A_345 : memref<100000x512xf32, #tpu.memory_space<hbm>>) dst(%dma_wait3A_341 : memref<50x512xf32, #tpu.memory_space<vmem>>)
      %mul3A_346 = arith.constant 2 : i32
      %mul3A_347 = arith.muli %mul3A_346, %add3A_329 : i32
      %add3A_348 = arith.constant 1 : i32
      %add3A_349 = arith.addi %mul3A_347, %add3A_348 : i32
      %mul3A_350 = arith.constant 56 : i32
      %mul3A_351 = arith.muli %add3A_349, %mul3A_350 : i32
      %dma_wait3A_352 = arith.constant 0 : i32
      %dma_wait3A_353 = arith.constant 1 : i32
      %dma_wait3A_354 = arith.constant 0 : i32
      %dma_wait3A_355 = arith.constant 0 : i32
      %dma_wait3A_356 = tpu.memref_slice %arg9[%dma_wait3A_352, %dma_wait3A_353, %dma_wait3A_354, %dma_wait3A_355] : memref<2x2x50x512xf32, #tpu.memory_space<vmem>> -> memref<1x1x50x512xf32, #tpu.memory_space<vmem>>
      %dma_wait3A_357 = tpu.memref_squeeze %dma_wait3A_356 : memref<1x1x50x512xf32, #tpu.memory_space<vmem>> -> memref<50x512xf32, #tpu.memory_space<vmem>>
      %dma_wait3A_358 = tpu.memref_slice %arg7[%mul3A_351] : memref<7168xi32, #tpu.memory_space<vmem>> -> memref<50xi32, #tpu.memory_space<vmem>>
      %dma_wait3A_359 = arith.constant 0 : i32
      %dma_wait3A_360 = arith.constant 0 : i32
      %dma_wait3A_361 = tpu.memref_slice %arg4[%dma_wait3A_359, %dma_wait3A_360] : memref<100000x512xf32, #tpu.memory_space<hbm>> -> memref<100000x512xf32, #tpu.memory_space<hbm>>
      tpu.wait_indirect_dma semaphore(%arg10 : memref<!tpu.dma_semaphore, #tpu.memory_space<semaphore_mem>>) src(%dma_wait3A_361 : memref<100000x512xf32, #tpu.memory_space<hbm>>) dst(%dma_wait3A_357 : memref<50x512xf32, #tpu.memory_space<vmem>>)
      %mul3A_362 = arith.constant 2 : i32
      %mul3A_363 = arith.muli %mul3A_362, %add3A_329 : i32
      %add3A_364 = arith.addi %mul3A_2, %mul3A_363 : i32
      %run_scoped3A_365 = arith.constant 0 : i32
      "tpu.region"() ({
        %run_scoped3A_413 = tpu.sem_alloc : memref<!tpu.dma_semaphore, #tpu.memory_space<semaphore_mem>>
        %dma_start3A_414 = arith.constant 0 : i32
        %dma_start3A_415 = arith.constant 0 : i32
        %dma_start3A_416 = arith.constant 0 : i32
        %dma_start3A_417 = tpu.memref_slice %arg9[%run_scoped3A_365, %dma_start3A_414, %dma_start3A_415, %dma_start3A_416] : memref<2x2x50x512xf32, #tpu.memory_space<vmem>> -> memref<1x2x50x512xf32, #tpu.memory_space<vmem>>
        %dma_start3A_418 = tpu.memref_squeeze %dma_start3A_417 : memref<1x2x50x512xf32, #tpu.memory_space<vmem>> -> memref<2x50x512xf32, #tpu.memory_space<vmem>>
        %dma_start3A_419 = arith.constant 0 : i32
        %dma_start3A_420 = arith.constant 0 : i32
        %dma_start3A_421 = tpu.memref_slice %arg5[%add3A_364, %dma_start3A_419, %dma_start3A_420] : memref<4096x50x512xf32, #tpu.memory_space<hbm>> -> memref<2x50x512xf32, #tpu.memory_space<hbm>>
        %dma_start3A_422 = arith.constant 0 : i32
        %dma_start3A_423 = arith.constant 0 : i32
        %dma_start3A_424 = tpu.memref_slice %arg5[%add3A_364, %dma_start3A_422, %dma_start3A_423] : memref<4096x50x512xf32, #tpu.memory_space<hbm>> -> memref<2x50x512xf32, #tpu.memory_space<hbm>>
        %dma_start3A_425 = arith.constant 0 : i32
        %dma_start3A_426 = arith.constant 0 : i32
        %dma_start3A_427 = arith.constant 0 : i32
        %dma_start3A_428 = tpu.memref_slice %arg9[%run_scoped3A_365, %dma_start3A_425, %dma_start3A_426, %dma_start3A_427] : memref<2x2x50x512xf32, #tpu.memory_space<vmem>> -> memref<1x2x50x512xf32, #tpu.memory_space<vmem>>
        %dma_start3A_429 = tpu.memref_squeeze %dma_start3A_428 : memref<1x2x50x512xf32, #tpu.memory_space<vmem>> -> memref<2x50x512xf32, #tpu.memory_space<vmem>>
        tpu.enqueue_dma source(%dma_start3A_429 : memref<2x50x512xf32, #tpu.memory_space<vmem>>) target(%dma_start3A_424 : memref<2x50x512xf32, #tpu.memory_space<hbm>>) target_semaphore(%run_scoped3A_413 : memref<!tpu.dma_semaphore, #tpu.memory_space<semaphore_mem>>)
        %dma_wait3A_430 = arith.constant 0 : i32
        %dma_wait3A_431 = arith.constant 0 : i32
        %dma_wait3A_432 = arith.constant 0 : i32
        %dma_wait3A_433 = tpu.memref_slice %arg9[%run_scoped3A_365, %dma_wait3A_430, %dma_wait3A_431, %dma_wait3A_432] : memref<2x2x50x512xf32, #tpu.memory_space<vmem>> -> memref<1x2x50x512xf32, #tpu.memory_space<vmem>>
        %dma_wait3A_434 = tpu.memref_squeeze %dma_wait3A_433 : memref<1x2x50x512xf32, #tpu.memory_space<vmem>> -> memref<2x50x512xf32, #tpu.memory_space<vmem>>
        %dma_wait3A_435 = arith.constant 0 : i32
        %dma_wait3A_436 = arith.constant 0 : i32
        %dma_wait3A_437 = tpu.memref_slice %arg5[%add3A_364, %dma_wait3A_435, %dma_wait3A_436] : memref<4096x50x512xf32, #tpu.memory_space<hbm>> -> memref<2x50x512xf32, #tpu.memory_space<hbm>>
        %dma_wait3A_438 = arith.constant 0 : i32
        %dma_wait3A_439 = arith.constant 0 : i32
        %dma_wait3A_440 = tpu.memref_slice %arg5[%add3A_364, %dma_wait3A_438, %dma_wait3A_439] : memref<4096x50x512xf32, #tpu.memory_space<hbm>> -> memref<2x50x512xf32, #tpu.memory_space<hbm>>
        %dma_wait3A_441 = arith.constant 0 : i32
        %dma_wait3A_442 = arith.constant 0 : i32
        %dma_wait3A_443 = arith.constant 0 : i32
        %dma_wait3A_444 = tpu.memref_slice %arg9[%run_scoped3A_365, %dma_wait3A_441, %dma_wait3A_442, %dma_wait3A_443] : memref<2x2x50x512xf32, #tpu.memory_space<vmem>> -> memref<1x2x50x512xf32, #tpu.memory_space<vmem>>
        %dma_wait3A_445 = tpu.memref_squeeze %dma_wait3A_444 : memref<1x2x50x512xf32, #tpu.memory_space<vmem>> -> memref<2x50x512xf32, #tpu.memory_space<vmem>>
        tpu.wait_dma2 semaphore(%run_scoped3A_413 : memref<!tpu.dma_semaphore, #tpu.memory_space<semaphore_mem>>) src(%dma_wait3A_445 : memref<2x50x512xf32, #tpu.memory_space<vmem>>) dst(%dma_wait3A_440 : memref<2x50x512xf32, #tpu.memory_space<hbm>>)
        tpu.yield
      }) : () -> ()
      %lt3A = arith.constant 31 : i32
      %lt3A_366 = arith.cmpi slt, %scan3A_325, %lt3A : i32
      %convert_element_type3A = arith.extui %lt3A_366 : i1 to i32
      %cond3A = arith.constant 0 : i32
      %cond3A_367 = arith.cmpi ne, %convert_element_type3A, %cond3A : i32
      scf.if %cond3A_367 {
        %add3A_413 = arith.constant 2 : i32
        %add3A_414 = arith.addi %add3A_329, %add3A_413 : i32
        %mul3A_415 = arith.constant 2 : i32
        %mul3A_416 = arith.muli %mul3A_415, %add3A_414 : i32
        %add3A_417 = arith.constant 0 : i32
        %add3A_418 = arith.addi %mul3A_416, %add3A_417 : i32
        %mul3A_419 = arith.constant 56 : i32
        %mul3A_420 = arith.muli %add3A_418, %mul3A_419 : i32
        %dma_start3A_421 = arith.constant 0 : i32
        %dma_start3A_422 = arith.constant 0 : i32
        %dma_start3A_423 = arith.constant 0 : i32
        %dma_start3A_424 = arith.constant 0 : i32
        %dma_start3A_425 = tpu.memref_slice %arg9[%dma_start3A_421, %dma_start3A_422, %dma_start3A_423, %dma_start3A_424] : memref<2x2x50x512xf32, #tpu.memory_space<vmem>> -> memref<1x1x50x512xf32, #tpu.memory_space<vmem>>
        %dma_start3A_426 = tpu.memref_squeeze %dma_start3A_425 : memref<1x1x50x512xf32, #tpu.memory_space<vmem>> -> memref<50x512xf32, #tpu.memory_space<vmem>>
        %dma_start3A_427 = tpu.memref_slice %arg7[%mul3A_420] : memref<7168xi32, #tpu.memory_space<vmem>> -> memref<50xi32, #tpu.memory_space<vmem>>
        %dma_start3A_428 = arith.constant 0 : i32
        %dma_start3A_429 = arith.constant 0 : i32
        %dma_start3A_430 = tpu.memref_slice %arg4[%dma_start3A_428, %dma_start3A_429] : memref<100000x512xf32, #tpu.memory_space<hbm>> -> memref<100000x512xf32, #tpu.memory_space<hbm>>
        tpu.enqueue_indirect_dma source(%dma_start3A_430 : memref<100000x512xf32, #tpu.memory_space<hbm>>) target(%dma_start3A_426 : memref<50x512xf32, #tpu.memory_space<vmem>>) offsets(%dma_start3A_427 : memref<50xi32, #tpu.memory_space<vmem>>) semaphore(%arg10 : memref<!tpu.dma_semaphore, #tpu.memory_space<semaphore_mem>>)
        %mul3A_431 = arith.constant 2 : i32
        %mul3A_432 = arith.muli %mul3A_431, %add3A_414 : i32
        %add3A_433 = arith.constant 1 : i32
        %add3A_434 = arith.addi %mul3A_432, %add3A_433 : i32
        %mul3A_435 = arith.constant 56 : i32
        %mul3A_436 = arith.muli %add3A_434, %mul3A_435 : i32
        %dma_start3A_437 = arith.constant 0 : i32
        %dma_start3A_438 = arith.constant 1 : i32
        %dma_start3A_439 = arith.constant 0 : i32
        %dma_start3A_440 = arith.constant 0 : i32
        %dma_start3A_441 = tpu.memref_slice %arg9[%dma_start3A_437, %dma_start3A_438, %dma_start3A_439, %dma_start3A_440] : memref<2x2x50x512xf32, #tpu.memory_space<vmem>> -> memref<1x1x50x512xf32, #tpu.memory_space<vmem>>
        %dma_start3A_442 = tpu.memref_squeeze %dma_start3A_441 : memref<1x1x50x512xf32, #tpu.memory_space<vmem>> -> memref<50x512xf32, #tpu.memory_space<vmem>>
        %dma_start3A_443 = tpu.memref_slice %arg7[%mul3A_436] : memref<7168xi32, #tpu.memory_space<vmem>> -> memref<50xi32, #tpu.memory_space<vmem>>
        %dma_start3A_444 = arith.constant 0 : i32
        %dma_start3A_445 = arith.constant 0 : i32
        %dma_start3A_446 = tpu.memref_slice %arg4[%dma_start3A_444, %dma_start3A_445] : memref<100000x512xf32, #tpu.memory_space<hbm>> -> memref<100000x512xf32, #tpu.memory_space<hbm>>
        tpu.enqueue_indirect_dma source(%dma_start3A_446 : memref<100000x512xf32, #tpu.memory_space<hbm>>) target(%dma_start3A_442 : memref<50x512xf32, #tpu.memory_space<vmem>>) offsets(%dma_start3A_443 : memref<50xi32, #tpu.memory_space<vmem>>) semaphore(%arg10 : memref<!tpu.dma_semaphore, #tpu.memory_space<semaphore_mem>>)
      } else {
      }
      %mul3A_368 = arith.constant 2 : i32
      %mul3A_369 = arith.muli %mul3A_368, %scan3A_325 : i32
      %add3A_370 = arith.constant 1 : i32
      %add3A_371 = arith.addi %mul3A_369, %add3A_370 : i32
      %mul3A_372 = arith.constant 2 : i32
      %mul3A_373 = arith.muli %mul3A_372, %add3A_371 : i32
      %add3A_374 = arith.constant 0 : i32
      %add3A_375 = arith.addi %mul3A_373, %add3A_374 : i32
      %mul3A_376 = arith.constant 56 : i32
      %mul3A_377 = arith.muli %add3A_375, %mul3A_376 : i32
      %dma_wait3A_378 = arith.constant 1 : i32
      %dma_wait3A_379 = arith.constant 0 : i32
      %dma_wait3A_380 = arith.constant 0 : i32
      %dma_wait3A_381 = arith.constant 0 : i32
      %dma_wait3A_382 = tpu.memref_slice %arg9[%dma_wait3A_378, %dma_wait3A_379, %dma_wait3A_380, %dma_wait3A_381] : memref<2x2x50x512xf32, #tpu.memory_space<vmem>> -> memref<1x1x50x512xf32, #tpu.memory_space<vmem>>
      %dma_wait3A_383 = tpu.memref_squeeze %dma_wait3A_382 : memref<1x1x50x512xf32, #tpu.memory_space<vmem>> -> memref<50x512xf32, #tpu.memory_space<vmem>>
      %dma_wait3A_384 = tpu.memref_slice %arg7[%mul3A_377] : memref<7168xi32, #tpu.memory_space<vmem>> -> memref<50xi32, #tpu.memory_space<vmem>>
      %dma_wait3A_385 = arith.constant 0 : i32
      %dma_wait3A_386 = arith.constant 0 : i32
      %dma_wait3A_387 = tpu.memref_slice %arg4[%dma_wait3A_385, %dma_wait3A_386] : memref<100000x512xf32, #tpu.memory_space<hbm>> -> memref<100000x512xf32, #tpu.memory_space<hbm>>
      tpu.wait_indirect_dma semaphore(%arg11 : memref<!tpu.dma_semaphore, #tpu.memory_space<semaphore_mem>>) src(%dma_wait3A_387 : memref<100000x512xf32, #tpu.memory_space<hbm>>) dst(%dma_wait3A_383 : memref<50x512xf32, #tpu.memory_space<vmem>>)
      %mul3A_388 = arith.constant 2 : i32
      %mul3A_389 = arith.muli %mul3A_388, %add3A_371 : i32
      %add3A_390 = arith.constant 1 : i32
      %add3A_391 = arith.addi %mul3A_389, %add3A_390 : i32
      %mul3A_392 = arith.constant 56 : i32
      %mul3A_393 = arith.muli %add3A_391, %mul3A_392 : i32
      %dma_wait3A_394 = arith.constant 1 : i32
      %dma_wait3A_395 = arith.constant 1 : i32
      %dma_wait3A_396 = arith.constant 0 : i32
      %dma_wait3A_397 = arith.constant 0 : i32
      %dma_wait3A_398 = tpu.memref_slice %arg9[%dma_wait3A_394, %dma_wait3A_395, %dma_wait3A_396, %dma_wait3A_397] : memref<2x2x50x512xf32, #tpu.memory_space<vmem>> -> memref<1x1x50x512xf32, #tpu.memory_space<vmem>>
      %dma_wait3A_399 = tpu.memref_squeeze %dma_wait3A_398 : memref<1x1x50x512xf32, #tpu.memory_space<vmem>> -> memref<50x512xf32, #tpu.memory_space<vmem>>
      %dma_wait3A_400 = tpu.memref_slice %arg7[%mul3A_393] : memref<7168xi32, #tpu.memory_space<vmem>> -> memref<50xi32, #tpu.memory_space<vmem>>
      %dma_wait3A_401 = arith.constant 0 : i32
      %dma_wait3A_402 = arith.constant 0 : i32
      %dma_wait3A_403 = tpu.memref_slice %arg4[%dma_wait3A_401, %dma_wait3A_402] : memref<100000x512xf32, #tpu.memory_space<hbm>> -> memref<100000x512xf32, #tpu.memory_space<hbm>>
      tpu.wait_indirect_dma semaphore(%arg11 : memref<!tpu.dma_semaphore, #tpu.memory_space<semaphore_mem>>) src(%dma_wait3A_403 : memref<100000x512xf32, #tpu.memory_space<hbm>>) dst(%dma_wait3A_399 : memref<50x512xf32, #tpu.memory_space<vmem>>)
      %mul3A_404 = arith.constant 2 : i32
      %mul3A_405 = arith.muli %mul3A_404, %add3A_371 : i32
      %add3A_406 = arith.addi %mul3A_2, %mul3A_405 : i32
      %run_scoped3A_407 = arith.constant 1 : i32
      "tpu.region"() ({
        %run_scoped3A_413 = tpu.sem_alloc : memref<!tpu.dma_semaphore, #tpu.memory_space<semaphore_mem>>
        %dma_start3A_414 = arith.constant 0 : i32
        %dma_start3A_415 = arith.constant 0 : i32
        %dma_start3A_416 = arith.constant 0 : i32
        %dma_start3A_417 = tpu.memref_slice %arg9[%run_scoped3A_407, %dma_start3A_414, %dma_start3A_415, %dma_start3A_416] : memref<2x2x50x512xf32, #tpu.memory_space<vmem>> -> memref<1x2x50x512xf32, #tpu.memory_space<vmem>>
        %dma_start3A_418 = tpu.memref_squeeze %dma_start3A_417 : memref<1x2x50x512xf32, #tpu.memory_space<vmem>> -> memref<2x50x512xf32, #tpu.memory_space<vmem>>
        %dma_start3A_419 = arith.constant 0 : i32
        %dma_start3A_420 = arith.constant 0 : i32
        %dma_start3A_421 = tpu.memref_slice %arg5[%add3A_406, %dma_start3A_419, %dma_start3A_420] : memref<4096x50x512xf32, #tpu.memory_space<hbm>> -> memref<2x50x512xf32, #tpu.memory_space<hbm>>
        %dma_start3A_422 = arith.constant 0 : i32
        %dma_start3A_423 = arith.constant 0 : i32
        %dma_start3A_424 = tpu.memref_slice %arg5[%add3A_406, %dma_start3A_422, %dma_start3A_423] : memref<4096x50x512xf32, #tpu.memory_space<hbm>> -> memref<2x50x512xf32, #tpu.memory_space<hbm>>
        %dma_start3A_425 = arith.constant 0 : i32
        %dma_start3A_426 = arith.constant 0 : i32
        %dma_start3A_427 = arith.constant 0 : i32
        %dma_start3A_428 = tpu.memref_slice %arg9[%run_scoped3A_407, %dma_start3A_425, %dma_start3A_426, %dma_start3A_427] : memref<2x2x50x512xf32, #tpu.memory_space<vmem>> -> memref<1x2x50x512xf32, #tpu.memory_space<vmem>>
        %dma_start3A_429 = tpu.memref_squeeze %dma_start3A_428 : memref<1x2x50x512xf32, #tpu.memory_space<vmem>> -> memref<2x50x512xf32, #tpu.memory_space<vmem>>
        tpu.enqueue_dma source(%dma_start3A_429 : memref<2x50x512xf32, #tpu.memory_space<vmem>>) target(%dma_start3A_424 : memref<2x50x512xf32, #tpu.memory_space<hbm>>) target_semaphore(%run_scoped3A_413 : memref<!tpu.dma_semaphore, #tpu.memory_space<semaphore_mem>>)
        %dma_wait3A_430 = arith.constant 0 : i32
        %dma_wait3A_431 = arith.constant 0 : i32
        %dma_wait3A_432 = arith.constant 0 : i32
        %dma_wait3A_433 = tpu.memref_slice %arg9[%run_scoped3A_407, %dma_wait3A_430, %dma_wait3A_431, %dma_wait3A_432] : memref<2x2x50x512xf32, #tpu.memory_space<vmem>> -> memref<1x2x50x512xf32, #tpu.memory_space<vmem>>
        %dma_wait3A_434 = tpu.memref_squeeze %dma_wait3A_433 : memref<1x2x50x512xf32, #tpu.memory_space<vmem>> -> memref<2x50x512xf32, #tpu.memory_space<vmem>>
        %dma_wait3A_435 = arith.constant 0 : i32
        %dma_wait3A_436 = arith.constant 0 : i32
        %dma_wait3A_437 = tpu.memref_slice %arg5[%add3A_406, %dma_wait3A_435, %dma_wait3A_436] : memref<4096x50x512xf32, #tpu.memory_space<hbm>> -> memref<2x50x512xf32, #tpu.memory_space<hbm>>
        %dma_wait3A_438 = arith.constant 0 : i32
        %dma_wait3A_439 = arith.constant 0 : i32
        %dma_wait3A_440 = tpu.memref_slice %arg5[%add3A_406, %dma_wait3A_438, %dma_wait3A_439] : memref<4096x50x512xf32, #tpu.memory_space<hbm>> -> memref<2x50x512xf32, #tpu.memory_space<hbm>>
        %dma_wait3A_441 = arith.constant 0 : i32
        %dma_wait3A_442 = arith.constant 0 : i32
        %dma_wait3A_443 = arith.constant 0 : i32
        %dma_wait3A_444 = tpu.memref_slice %arg9[%run_scoped3A_407, %dma_wait3A_441, %dma_wait3A_442, %dma_wait3A_443] : memref<2x2x50x512xf32, #tpu.memory_space<vmem>> -> memref<1x2x50x512xf32, #tpu.memory_space<vmem>>
        %dma_wait3A_445 = tpu.memref_squeeze %dma_wait3A_444 : memref<1x2x50x512xf32, #tpu.memory_space<vmem>> -> memref<2x50x512xf32, #tpu.memory_space<vmem>>
        tpu.wait_dma2 semaphore(%run_scoped3A_413 : memref<!tpu.dma_semaphore, #tpu.memory_space<semaphore_mem>>) src(%dma_wait3A_445 : memref<2x50x512xf32, #tpu.memory_space<vmem>>) dst(%dma_wait3A_440 : memref<2x50x512xf32, #tpu.memory_space<hbm>>)
        tpu.yield
      }) : () -> ()
      %lt3A_408 = arith.constant 31 : i32
      %lt3A_409 = arith.cmpi slt, %scan3A_325, %lt3A_408 : i32
      %convert_element_type3A_410 = arith.extui %lt3A_409 : i1 to i32
      %cond3A_411 = arith.constant 0 : i32
      %cond3A_412 = arith.cmpi ne, %convert_element_type3A_410, %cond3A_411 : i32
      scf.if %cond3A_412 {
        %add3A_413 = arith.constant 2 : i32
        %add3A_414 = arith.addi %add3A_371, %add3A_413 : i32
        %mul3A_415 = arith.constant 2 : i32
        %mul3A_416 = arith.muli %mul3A_415, %add3A_414 : i32
        %add3A_417 = arith.constant 0 : i32
        %add3A_418 = arith.addi %mul3A_416, %add3A_417 : i32
        %mul3A_419 = arith.constant 56 : i32
        %mul3A_420 = arith.muli %add3A_418, %mul3A_419 : i32
        %dma_start3A_421 = arith.constant 1 : i32
        %dma_start3A_422 = arith.constant 0 : i32
        %dma_start3A_423 = arith.constant 0 : i32
        %dma_start3A_424 = arith.constant 0 : i32
        %dma_start3A_425 = tpu.memref_slice %arg9[%dma_start3A_421, %dma_start3A_422, %dma_start3A_423, %dma_start3A_424] : memref<2x2x50x512xf32, #tpu.memory_space<vmem>> -> memref<1x1x50x512xf32, #tpu.memory_space<vmem>>
        %dma_start3A_426 = tpu.memref_squeeze %dma_start3A_425 : memref<1x1x50x512xf32, #tpu.memory_space<vmem>> -> memref<50x512xf32, #tpu.memory_space<vmem>>
        %dma_start3A_427 = tpu.memref_slice %arg7[%mul3A_420] : memref<7168xi32, #tpu.memory_space<vmem>> -> memref<50xi32, #tpu.memory_space<vmem>>
        %dma_start3A_428 = arith.constant 0 : i32
        %dma_start3A_429 = arith.constant 0 : i32
        %dma_start3A_430 = tpu.memref_slice %arg4[%dma_start3A_428, %dma_start3A_429] : memref<100000x512xf32, #tpu.memory_space<hbm>> -> memref<100000x512xf32, #tpu.memory_space<hbm>>
        tpu.enqueue_indirect_dma source(%dma_start3A_430 : memref<100000x512xf32, #tpu.memory_space<hbm>>) target(%dma_start3A_426 : memref<50x512xf32, #tpu.memory_space<vmem>>) offsets(%dma_start3A_427 : memref<50xi32, #tpu.memory_space<vmem>>) semaphore(%arg11 : memref<!tpu.dma_semaphore, #tpu.memory_space<semaphore_mem>>)
        %mul3A_431 = arith.constant 2 : i32
        %mul3A_432 = arith.muli %mul3A_431, %add3A_414 : i32
        %add3A_433 = arith.constant 1 : i32
        %add3A_434 = arith.addi %mul3A_432, %add3A_433 : i32
        %mul3A_435 = arith.constant 56 : i32
        %mul3A_436 = arith.muli %add3A_434, %mul3A_435 : i32
        %dma_start3A_437 = arith.constant 1 : i32
        %dma_start3A_438 = arith.constant 1 : i32
        %dma_start3A_439 = arith.constant 0 : i32
        %dma_start3A_440 = arith.constant 0 : i32
        %dma_start3A_441 = tpu.memref_slice %arg9[%dma_start3A_437, %dma_start3A_438, %dma_start3A_439, %dma_start3A_440] : memref<2x2x50x512xf32, #tpu.memory_space<vmem>> -> memref<1x1x50x512xf32, #tpu.memory_space<vmem>>
        %dma_start3A_442 = tpu.memref_squeeze %dma_start3A_441 : memref<1x1x50x512xf32, #tpu.memory_space<vmem>> -> memref<50x512xf32, #tpu.memory_space<vmem>>
        %dma_start3A_443 = tpu.memref_slice %arg7[%mul3A_436] : memref<7168xi32, #tpu.memory_space<vmem>> -> memref<50xi32, #tpu.memory_space<vmem>>
        %dma_start3A_444 = arith.constant 0 : i32
        %dma_start3A_445 = arith.constant 0 : i32
        %dma_start3A_446 = tpu.memref_slice %arg4[%dma_start3A_444, %dma_start3A_445] : memref<100000x512xf32, #tpu.memory_space<hbm>> -> memref<100000x512xf32, #tpu.memory_space<hbm>>
        tpu.enqueue_indirect_dma source(%dma_start3A_446 : memref<100000x512xf32, #tpu.memory_space<hbm>>) target(%dma_start3A_442 : memref<50x512xf32, #tpu.memory_space<vmem>>) offsets(%dma_start3A_443 : memref<50xi32, #tpu.memory_space<vmem>>) semaphore(%arg11 : memref<!tpu.dma_semaphore, #tpu.memory_space<semaphore_mem>>)
      } else {
      }
    }
    %scan3A_54 = arith.constant 32 : i32
    %dma_start3A_55 = arith.constant 0 : i32
    %dma_start3A_56 = arith.constant 0 : i32
    %dma_start3A_57 = arith.constant 0 : i32
    %dma_start3A_58 = arith.constant 0 : i32
    %dma_start3A_59 = tpu.memref_slice %arg9[%dma_start3A_55, %dma_start3A_56, %dma_start3A_57, %dma_start3A_58] : memref<2x2x50x512xf32, #tpu.memory_space<vmem>> -> memref<1x1x50x512xf32, #tpu.memory_space<vmem>>
    %dma_start3A_60 = tpu.memref_squeeze %dma_start3A_59 : memref<1x1x50x512xf32, #tpu.memory_space<vmem>> -> memref<50x512xf32, #tpu.memory_space<vmem>>
    %dma_start3A_61 = arith.constant 0 : i32
    %dma_start3A_62 = arith.constant 0 : i32
    %dma_start3A_63 = tpu.memref_slice %dma_start3A_60[%dma_start3A_61, %dma_start3A_62] : memref<50x512xf32, #tpu.memory_space<vmem>> -> memref<32x512xf32, #tpu.memory_space<vmem>>
    %dma_start3A_64 = arith.constant 0 : i32
    %dma_start3A_65 = tpu.memref_slice %arg8[%dma_start3A_64] : memref<256xi32, #tpu.memory_space<vmem>> -> memref<32xi32, #tpu.memory_space<vmem>>
    %dma_start3A_66 = arith.constant 0 : i32
    %dma_start3A_67 = arith.constant 0 : i32
    %dma_start3A_68 = tpu.memref_slice %arg4[%dma_start3A_66, %dma_start3A_67] : memref<100000x512xf32, #tpu.memory_space<hbm>> -> memref<100000x512xf32, #tpu.memory_space<hbm>>
    tpu.enqueue_indirect_dma source(%dma_start3A_68 : memref<100000x512xf32, #tpu.memory_space<hbm>>) target(%dma_start3A_63 : memref<32x512xf32, #tpu.memory_space<vmem>>) offsets(%dma_start3A_65 : memref<32xi32, #tpu.memory_space<vmem>>) semaphore(%arg10 : memref<!tpu.dma_semaphore, #tpu.memory_space<semaphore_mem>>)
    %dma_start3A_69 = arith.constant 1 : i32
    %dma_start3A_70 = arith.constant 0 : i32
    %dma_start3A_71 = arith.constant 0 : i32
    %dma_start3A_72 = arith.constant 0 : i32
    %dma_start3A_73 = tpu.memref_slice %arg9[%dma_start3A_69, %dma_start3A_70, %dma_start3A_71, %dma_start3A_72] : memref<2x2x50x512xf32, #tpu.memory_space<vmem>> -> memref<1x1x50x512xf32, #tpu.memory_space<vmem>>
    %dma_start3A_74 = tpu.memref_squeeze %dma_start3A_73 : memref<1x1x50x512xf32, #tpu.memory_space<vmem>> -> memref<50x512xf32, #tpu.memory_space<vmem>>
    %dma_start3A_75 = arith.constant 0 : i32
    %dma_start3A_76 = arith.constant 0 : i32
    %dma_start3A_77 = tpu.memref_slice %dma_start3A_74[%dma_start3A_75, %dma_start3A_76] : memref<50x512xf32, #tpu.memory_space<vmem>> -> memref<32x512xf32, #tpu.memory_space<vmem>>
    %dma_start3A_78 = arith.constant 32 : i32
    %dma_start3A_79 = tpu.memref_slice %arg8[%dma_start3A_78] : memref<256xi32, #tpu.memory_space<vmem>> -> memref<32xi32, #tpu.memory_space<vmem>>
    %dma_start3A_80 = arith.constant 0 : i32
    %dma_start3A_81 = arith.constant 0 : i32
    %dma_start3A_82 = tpu.memref_slice %arg4[%dma_start3A_80, %dma_start3A_81] : memref<100000x512xf32, #tpu.memory_space<hbm>> -> memref<100000x512xf32, #tpu.memory_space<hbm>>
    tpu.enqueue_indirect_dma source(%dma_start3A_82 : memref<100000x512xf32, #tpu.memory_space<hbm>>) target(%dma_start3A_77 : memref<32x512xf32, #tpu.memory_space<vmem>>) offsets(%dma_start3A_79 : memref<32xi32, #tpu.memory_space<vmem>>) semaphore(%arg11 : memref<!tpu.dma_semaphore, #tpu.memory_space<semaphore_mem>>)
    %dma_wait3A = arith.constant 0 : i32
    %dma_wait3A_83 = arith.constant 0 : i32
    %dma_wait3A_84 = arith.constant 0 : i32
    %dma_wait3A_85 = arith.constant 0 : i32
    %dma_wait3A_86 = tpu.memref_slice %arg9[%dma_wait3A, %dma_wait3A_83, %dma_wait3A_84, %dma_wait3A_85] : memref<2x2x50x512xf32, #tpu.memory_space<vmem>> -> memref<1x1x50x512xf32, #tpu.memory_space<vmem>>
    %dma_wait3A_87 = tpu.memref_squeeze %dma_wait3A_86 : memref<1x1x50x512xf32, #tpu.memory_space<vmem>> -> memref<50x512xf32, #tpu.memory_space<vmem>>
    %dma_wait3A_88 = arith.constant 0 : i32
    %dma_wait3A_89 = arith.constant 0 : i32
    %dma_wait3A_90 = tpu.memref_slice %dma_wait3A_87[%dma_wait3A_88, %dma_wait3A_89] : memref<50x512xf32, #tpu.memory_space<vmem>> -> memref<32x512xf32, #tpu.memory_space<vmem>>
    %dma_wait3A_91 = arith.constant 0 : i32
    %dma_wait3A_92 = tpu.memref_slice %arg8[%dma_wait3A_91] : memref<256xi32, #tpu.memory_space<vmem>> -> memref<32xi32, #tpu.memory_space<vmem>>
    %dma_wait3A_93 = arith.constant 0 : i32
    %dma_wait3A_94 = arith.constant 0 : i32
    %dma_wait3A_95 = tpu.memref_slice %arg4[%dma_wait3A_93, %dma_wait3A_94] : memref<100000x512xf32, #tpu.memory_space<hbm>> -> memref<100000x512xf32, #tpu.memory_space<hbm>>
    tpu.wait_indirect_dma semaphore(%arg10 : memref<!tpu.dma_semaphore, #tpu.memory_space<semaphore_mem>>) src(%dma_wait3A_95 : memref<100000x512xf32, #tpu.memory_space<hbm>>) dst(%dma_wait3A_90 : memref<32x512xf32, #tpu.memory_space<vmem>>)
    %mul3A_96 = arith.constant 256 : i32
    %mul3A_97 = arith.muli %add3A, %mul3A_96 : i32
    %add3A_98 = arith.constant 0 : i32
    %add3A_99 = arith.addi %mul3A_97, %add3A_98 : i32
    %run_scoped3A = arith.constant 0 : i32
    %run_scoped3A_100 = arith.constant 0 : i32
    "tpu.region"() ({
      %run_scoped3A_325 = tpu.sem_alloc : memref<!tpu.dma_semaphore, #tpu.memory_space<semaphore_mem>>
      %dma_start3A_326 = arith.constant 0 : i32
      %dma_start3A_327 = arith.constant 0 : i32
      %dma_start3A_328 = tpu.memref_slice %arg9[%run_scoped3A, %run_scoped3A_100, %dma_start3A_326, %dma_start3A_327] : memref<2x2x50x512xf32, #tpu.memory_space<vmem>> -> memref<1x1x50x512xf32, #tpu.memory_space<vmem>>
      %dma_start3A_329 = tpu.memref_squeeze %dma_start3A_328 : memref<1x1x50x512xf32, #tpu.memory_space<vmem>> -> memref<50x512xf32, #tpu.memory_space<vmem>>
      %dma_start3A_330 = arith.constant 0 : i32
      %dma_start3A_331 = arith.constant 0 : i32
      %dma_start3A_332 = tpu.memref_slice %dma_start3A_329[%dma_start3A_330, %dma_start3A_331] : memref<50x512xf32, #tpu.memory_space<vmem>> -> memref<32x512xf32, #tpu.memory_space<vmem>>
      %dma_start3A_333 = arith.constant 0 : i32
      %dma_start3A_334 = tpu.memref_slice %arg6[%add3A_99, %dma_start3A_333] : memref<8192x512xf32, #tpu.memory_space<hbm>> -> memref<32x512xf32, #tpu.memory_space<hbm>>
      %dma_start3A_335 = arith.constant 0 : i32
      %dma_start3A_336 = tpu.memref_slice %arg6[%add3A_99, %dma_start3A_335] : memref<8192x512xf32, #tpu.memory_space<hbm>> -> memref<32x512xf32, #tpu.memory_space<hbm>>
      %dma_start3A_337 = arith.constant 0 : i32
      %dma_start3A_338 = arith.constant 0 : i32
      %dma_start3A_339 = tpu.memref_slice %arg9[%run_scoped3A, %run_scoped3A_100, %dma_start3A_337, %dma_start3A_338] : memref<2x2x50x512xf32, #tpu.memory_space<vmem>> -> memref<1x1x50x512xf32, #tpu.memory_space<vmem>>
      %dma_start3A_340 = tpu.memref_squeeze %dma_start3A_339 : memref<1x1x50x512xf32, #tpu.memory_space<vmem>> -> memref<50x512xf32, #tpu.memory_space<vmem>>
      %dma_start3A_341 = arith.constant 0 : i32
      %dma_start3A_342 = arith.constant 0 : i32
      %dma_start3A_343 = tpu.memref_slice %dma_start3A_340[%dma_start3A_341, %dma_start3A_342] : memref<50x512xf32, #tpu.memory_space<vmem>> -> memref<32x512xf32, #tpu.memory_space<vmem>>
      tpu.enqueue_dma source(%dma_start3A_343 : memref<32x512xf32, #tpu.memory_space<vmem>>) target(%dma_start3A_336 : memref<32x512xf32, #tpu.memory_space<hbm>>) target_semaphore(%run_scoped3A_325 : memref<!tpu.dma_semaphore, #tpu.memory_space<semaphore_mem>>)
      %dma_wait3A_344 = arith.constant 0 : i32
      %dma_wait3A_345 = arith.constant 0 : i32
      %dma_wait3A_346 = tpu.memref_slice %arg9[%run_scoped3A, %run_scoped3A_100, %dma_wait3A_344, %dma_wait3A_345] : memref<2x2x50x512xf32, #tpu.memory_space<vmem>> -> memref<1x1x50x512xf32, #tpu.memory_space<vmem>>
      %dma_wait3A_347 = tpu.memref_squeeze %dma_wait3A_346 : memref<1x1x50x512xf32, #tpu.memory_space<vmem>> -> memref<50x512xf32, #tpu.memory_space<vmem>>
      %dma_wait3A_348 = arith.constant 0 : i32
      %dma_wait3A_349 = arith.constant 0 : i32
      %dma_wait3A_350 = tpu.memref_slice %dma_wait3A_347[%dma_wait3A_348, %dma_wait3A_349] : memref<50x512xf32, #tpu.memory_space<vmem>> -> memref<32x512xf32, #tpu.memory_space<vmem>>
      %dma_wait3A_351 = arith.constant 0 : i32
      %dma_wait3A_352 = tpu.memref_slice %arg6[%add3A_99, %dma_wait3A_351] : memref<8192x512xf32, #tpu.memory_space<hbm>> -> memref<32x512xf32, #tpu.memory_space<hbm>>
      %dma_wait3A_353 = arith.constant 0 : i32
      %dma_wait3A_354 = tpu.memref_slice %arg6[%add3A_99, %dma_wait3A_353] : memref<8192x512xf32, #tpu.memory_space<hbm>> -> memref<32x512xf32, #tpu.memory_space<hbm>>
      %dma_wait3A_355 = arith.constant 0 : i32
      %dma_wait3A_356 = arith.constant 0 : i32
      %dma_wait3A_357 = tpu.memref_slice %arg9[%run_scoped3A, %run_scoped3A_100, %dma_wait3A_355, %dma_wait3A_356] : memref<2x2x50x512xf32, #tpu.memory_space<vmem>> -> memref<1x1x50x512xf32, #tpu.memory_space<vmem>>
      %dma_wait3A_358 = tpu.memref_squeeze %dma_wait3A_357 : memref<1x1x50x512xf32, #tpu.memory_space<vmem>> -> memref<50x512xf32, #tpu.memory_space<vmem>>
      %dma_wait3A_359 = arith.constant 0 : i32
      %dma_wait3A_360 = arith.constant 0 : i32
      %dma_wait3A_361 = tpu.memref_slice %dma_wait3A_358[%dma_wait3A_359, %dma_wait3A_360] : memref<50x512xf32, #tpu.memory_space<vmem>> -> memref<32x512xf32, #tpu.memory_space<vmem>>
      tpu.wait_dma2 semaphore(%run_scoped3A_325 : memref<!tpu.dma_semaphore, #tpu.memory_space<semaphore_mem>>) src(%dma_wait3A_361 : memref<32x512xf32, #tpu.memory_space<vmem>>) dst(%dma_wait3A_354 : memref<32x512xf32, #tpu.memory_space<hbm>>)
      tpu.yield
    }) : () -> ()
    %dma_start3A_101 = arith.constant 0 : i32
    %dma_start3A_102 = arith.constant 0 : i32
    %dma_start3A_103 = arith.constant 0 : i32
    %dma_start3A_104 = arith.constant 0 : i32
    %dma_start3A_105 = tpu.memref_slice %arg9[%dma_start3A_101, %dma_start3A_102, %dma_start3A_103, %dma_start3A_104] : memref<2x2x50x512xf32, #tpu.memory_space<vmem>> -> memref<1x1x50x512xf32, #tpu.memory_space<vmem>>
    %dma_start3A_106 = tpu.memref_squeeze %dma_start3A_105 : memref<1x1x50x512xf32, #tpu.memory_space<vmem>> -> memref<50x512xf32, #tpu.memory_space<vmem>>
    %dma_start3A_107 = arith.constant 0 : i32
    %dma_start3A_108 = arith.constant 0 : i32
    %dma_start3A_109 = tpu.memref_slice %dma_start3A_106[%dma_start3A_107, %dma_start3A_108] : memref<50x512xf32, #tpu.memory_space<vmem>> -> memref<32x512xf32, #tpu.memory_space<vmem>>
    %dma_start3A_110 = arith.constant 64 : i32
    %dma_start3A_111 = tpu.memref_slice %arg8[%dma_start3A_110] : memref<256xi32, #tpu.memory_space<vmem>> -> memref<32xi32, #tpu.memory_space<vmem>>
    %dma_start3A_112 = arith.constant 0 : i32
    %dma_start3A_113 = arith.constant 0 : i32
    %dma_start3A_114 = tpu.memref_slice %arg4[%dma_start3A_112, %dma_start3A_113] : memref<100000x512xf32, #tpu.memory_space<hbm>> -> memref<100000x512xf32, #tpu.memory_space<hbm>>
    tpu.enqueue_indirect_dma source(%dma_start3A_114 : memref<100000x512xf32, #tpu.memory_space<hbm>>) target(%dma_start3A_109 : memref<32x512xf32, #tpu.memory_space<vmem>>) offsets(%dma_start3A_111 : memref<32xi32, #tpu.memory_space<vmem>>) semaphore(%arg10 : memref<!tpu.dma_semaphore, #tpu.memory_space<semaphore_mem>>)
    %dma_wait3A_115 = arith.constant 1 : i32
    %dma_wait3A_116 = arith.constant 0 : i32
    %dma_wait3A_117 = arith.constant 0 : i32
    %dma_wait3A_118 = arith.constant 0 : i32
    %dma_wait3A_119 = tpu.memref_slice %arg9[%dma_wait3A_115, %dma_wait3A_116, %dma_wait3A_117, %dma_wait3A_118] : memref<2x2x50x512xf32, #tpu.memory_space<vmem>> -> memref<1x1x50x512xf32, #tpu.memory_space<vmem>>
    %dma_wait3A_120 = tpu.memref_squeeze %dma_wait3A_119 : memref<1x1x50x512xf32, #tpu.memory_space<vmem>> -> memref<50x512xf32, #tpu.memory_space<vmem>>
    %dma_wait3A_121 = arith.constant 0 : i32
    %dma_wait3A_122 = arith.constant 0 : i32
    %dma_wait3A_123 = tpu.memref_slice %dma_wait3A_120[%dma_wait3A_121, %dma_wait3A_122] : memref<50x512xf32, #tpu.memory_space<vmem>> -> memref<32x512xf32, #tpu.memory_space<vmem>>
    %dma_wait3A_124 = arith.constant 32 : i32
    %dma_wait3A_125 = tpu.memref_slice %arg8[%dma_wait3A_124] : memref<256xi32, #tpu.memory_space<vmem>> -> memref<32xi32, #tpu.memory_space<vmem>>
    %dma_wait3A_126 = arith.constant 0 : i32
    %dma_wait3A_127 = arith.constant 0 : i32
    %dma_wait3A_128 = tpu.memref_slice %arg4[%dma_wait3A_126, %dma_wait3A_127] : memref<100000x512xf32, #tpu.memory_space<hbm>> -> memref<100000x512xf32, #tpu.memory_space<hbm>>
    tpu.wait_indirect_dma semaphore(%arg11 : memref<!tpu.dma_semaphore, #tpu.memory_space<semaphore_mem>>) src(%dma_wait3A_128 : memref<100000x512xf32, #tpu.memory_space<hbm>>) dst(%dma_wait3A_123 : memref<32x512xf32, #tpu.memory_space<vmem>>)
    %mul3A_129 = arith.constant 256 : i32
    %mul3A_130 = arith.muli %add3A, %mul3A_129 : i32
    %add3A_131 = arith.constant 32 : i32
    %add3A_132 = arith.addi %mul3A_130, %add3A_131 : i32
    %run_scoped3A_133 = arith.constant 1 : i32
    %run_scoped3A_134 = arith.constant 0 : i32
    "tpu.region"() ({
      %run_scoped3A_325 = tpu.sem_alloc : memref<!tpu.dma_semaphore, #tpu.memory_space<semaphore_mem>>
      %dma_start3A_326 = arith.constant 0 : i32
      %dma_start3A_327 = arith.constant 0 : i32
      %dma_start3A_328 = tpu.memref_slice %arg9[%run_scoped3A_133, %run_scoped3A_134, %dma_start3A_326, %dma_start3A_327] : memref<2x2x50x512xf32, #tpu.memory_space<vmem>> -> memref<1x1x50x512xf32, #tpu.memory_space<vmem>>
      %dma_start3A_329 = tpu.memref_squeeze %dma_start3A_328 : memref<1x1x50x512xf32, #tpu.memory_space<vmem>> -> memref<50x512xf32, #tpu.memory_space<vmem>>
      %dma_start3A_330 = arith.constant 0 : i32
      %dma_start3A_331 = arith.constant 0 : i32
      %dma_start3A_332 = tpu.memref_slice %dma_start3A_329[%dma_start3A_330, %dma_start3A_331] : memref<50x512xf32, #tpu.memory_space<vmem>> -> memref<32x512xf32, #tpu.memory_space<vmem>>
      %dma_start3A_333 = arith.constant 0 : i32
      %dma_start3A_334 = tpu.memref_slice %arg6[%add3A_132, %dma_start3A_333] : memref<8192x512xf32, #tpu.memory_space<hbm>> -> memref<32x512xf32, #tpu.memory_space<hbm>>
      %dma_start3A_335 = arith.constant 0 : i32
      %dma_start3A_336 = tpu.memref_slice %arg6[%add3A_132, %dma_start3A_335] : memref<8192x512xf32, #tpu.memory_space<hbm>> -> memref<32x512xf32, #tpu.memory_space<hbm>>
      %dma_start3A_337 = arith.constant 0 : i32
      %dma_start3A_338 = arith.constant 0 : i32
      %dma_start3A_339 = tpu.memref_slice %arg9[%run_scoped3A_133, %run_scoped3A_134, %dma_start3A_337, %dma_start3A_338] : memref<2x2x50x512xf32, #tpu.memory_space<vmem>> -> memref<1x1x50x512xf32, #tpu.memory_space<vmem>>
      %dma_start3A_340 = tpu.memref_squeeze %dma_start3A_339 : memref<1x1x50x512xf32, #tpu.memory_space<vmem>> -> memref<50x512xf32, #tpu.memory_space<vmem>>
      %dma_start3A_341 = arith.constant 0 : i32
      %dma_start3A_342 = arith.constant 0 : i32
      %dma_start3A_343 = tpu.memref_slice %dma_start3A_340[%dma_start3A_341, %dma_start3A_342] : memref<50x512xf32, #tpu.memory_space<vmem>> -> memref<32x512xf32, #tpu.memory_space<vmem>>
      tpu.enqueue_dma source(%dma_start3A_343 : memref<32x512xf32, #tpu.memory_space<vmem>>) target(%dma_start3A_336 : memref<32x512xf32, #tpu.memory_space<hbm>>) target_semaphore(%run_scoped3A_325 : memref<!tpu.dma_semaphore, #tpu.memory_space<semaphore_mem>>)
      %dma_wait3A_344 = arith.constant 0 : i32
      %dma_wait3A_345 = arith.constant 0 : i32
      %dma_wait3A_346 = tpu.memref_slice %arg9[%run_scoped3A_133, %run_scoped3A_134, %dma_wait3A_344, %dma_wait3A_345] : memref<2x2x50x512xf32, #tpu.memory_space<vmem>> -> memref<1x1x50x512xf32, #tpu.memory_space<vmem>>
      %dma_wait3A_347 = tpu.memref_squeeze %dma_wait3A_346 : memref<1x1x50x512xf32, #tpu.memory_space<vmem>> -> memref<50x512xf32, #tpu.memory_space<vmem>>
      %dma_wait3A_348 = arith.constant 0 : i32
      %dma_wait3A_349 = arith.constant 0 : i32
      %dma_wait3A_350 = tpu.memref_slice %dma_wait3A_347[%dma_wait3A_348, %dma_wait3A_349] : memref<50x512xf32, #tpu.memory_space<vmem>> -> memref<32x512xf32, #tpu.memory_space<vmem>>
      %dma_wait3A_351 = arith.constant 0 : i32
      %dma_wait3A_352 = tpu.memref_slice %arg6[%add3A_132, %dma_wait3A_351] : memref<8192x512xf32, #tpu.memory_space<hbm>> -> memref<32x512xf32, #tpu.memory_space<hbm>>
      %dma_wait3A_353 = arith.constant 0 : i32
      %dma_wait3A_354 = tpu.memref_slice %arg6[%add3A_132, %dma_wait3A_353] : memref<8192x512xf32, #tpu.memory_space<hbm>> -> memref<32x512xf32, #tpu.memory_space<hbm>>
      %dma_wait3A_355 = arith.constant 0 : i32
      %dma_wait3A_356 = arith.constant 0 : i32
      %dma_wait3A_357 = tpu.memref_slice %arg9[%run_scoped3A_133, %run_scoped3A_134, %dma_wait3A_355, %dma_wait3A_356] : memref<2x2x50x512xf32, #tpu.memory_space<vmem>> -> memref<1x1x50x512xf32, #tpu.memory_space<vmem>>
      %dma_wait3A_358 = tpu.memref_squeeze %dma_wait3A_357 : memref<1x1x50x512xf32, #tpu.memory_space<vmem>> -> memref<50x512xf32, #tpu.memory_space<vmem>>
      %dma_wait3A_359 = arith.constant 0 : i32
      %dma_wait3A_360 = arith.constant 0 : i32
      %dma_wait3A_361 = tpu.memref_slice %dma_wait3A_358[%dma_wait3A_359, %dma_wait3A_360] : memref<50x512xf32, #tpu.memory_space<vmem>> -> memref<32x512xf32, #tpu.memory_space<vmem>>
      tpu.wait_dma2 semaphore(%run_scoped3A_325 : memref<!tpu.dma_semaphore, #tpu.memory_space<semaphore_mem>>) src(%dma_wait3A_361 : memref<32x512xf32, #tpu.memory_space<vmem>>) dst(%dma_wait3A_354 : memref<32x512xf32, #tpu.memory_space<hbm>>)
      tpu.yield
    }) : () -> ()
    %dma_start3A_135 = arith.constant 1 : i32
    %dma_start3A_136 = arith.constant 0 : i32
    %dma_start3A_137 = arith.constant 0 : i32
    %dma_start3A_138 = arith.constant 0 : i32
    %dma_start3A_139 = tpu.memref_slice %arg9[%dma_start3A_135, %dma_start3A_136, %dma_start3A_137, %dma_start3A_138] : memref<2x2x50x512xf32, #tpu.memory_space<vmem>> -> memref<1x1x50x512xf32, #tpu.memory_space<vmem>>
    %dma_start3A_140 = tpu.memref_squeeze %dma_start3A_139 : memref<1x1x50x512xf32, #tpu.memory_space<vmem>> -> memref<50x512xf32, #tpu.memory_space<vmem>>
    %dma_start3A_141 = arith.constant 0 : i32
    %dma_start3A_142 = arith.constant 0 : i32
    %dma_start3A_143 = tpu.memref_slice %dma_start3A_140[%dma_start3A_141, %dma_start3A_142] : memref<50x512xf32, #tpu.memory_space<vmem>> -> memref<32x512xf32, #tpu.memory_space<vmem>>
    %dma_start3A_144 = arith.constant 96 : i32
    %dma_start3A_145 = tpu.memref_slice %arg8[%dma_start3A_144] : memref<256xi32, #tpu.memory_space<vmem>> -> memref<32xi32, #tpu.memory_space<vmem>>
    %dma_start3A_146 = arith.constant 0 : i32
    %dma_start3A_147 = arith.constant 0 : i32
    %dma_start3A_148 = tpu.memref_slice %arg4[%dma_start3A_146, %dma_start3A_147] : memref<100000x512xf32, #tpu.memory_space<hbm>> -> memref<100000x512xf32, #tpu.memory_space<hbm>>
    tpu.enqueue_indirect_dma source(%dma_start3A_148 : memref<100000x512xf32, #tpu.memory_space<hbm>>) target(%dma_start3A_143 : memref<32x512xf32, #tpu.memory_space<vmem>>) offsets(%dma_start3A_145 : memref<32xi32, #tpu.memory_space<vmem>>) semaphore(%arg11 : memref<!tpu.dma_semaphore, #tpu.memory_space<semaphore_mem>>)
    %dma_wait3A_149 = arith.constant 0 : i32
    %dma_wait3A_150 = arith.constant 0 : i32
    %dma_wait3A_151 = arith.constant 0 : i32
    %dma_wait3A_152 = arith.constant 0 : i32
    %dma_wait3A_153 = tpu.memref_slice %arg9[%dma_wait3A_149, %dma_wait3A_150, %dma_wait3A_151, %dma_wait3A_152] : memref<2x2x50x512xf32, #tpu.memory_space<vmem>> -> memref<1x1x50x512xf32, #tpu.memory_space<vmem>>
    %dma_wait3A_154 = tpu.memref_squeeze %dma_wait3A_153 : memref<1x1x50x512xf32, #tpu.memory_space<vmem>> -> memref<50x512xf32, #tpu.memory_space<vmem>>
    %dma_wait3A_155 = arith.constant 0 : i32
    %dma_wait3A_156 = arith.constant 0 : i32
    %dma_wait3A_157 = tpu.memref_slice %dma_wait3A_154[%dma_wait3A_155, %dma_wait3A_156] : memref<50x512xf32, #tpu.memory_space<vmem>> -> memref<32x512xf32, #tpu.memory_space<vmem>>
    %dma_wait3A_158 = arith.constant 64 : i32
    %dma_wait3A_159 = tpu.memref_slice %arg8[%dma_wait3A_158] : memref<256xi32, #tpu.memory_space<vmem>> -> memref<32xi32, #tpu.memory_space<vmem>>
    %dma_wait3A_160 = arith.constant 0 : i32
    %dma_wait3A_161 = arith.constant 0 : i32
    %dma_wait3A_162 = tpu.memref_slice %arg4[%dma_wait3A_160, %dma_wait3A_161] : memref<100000x512xf32, #tpu.memory_space<hbm>> -> memref<100000x512xf32, #tpu.memory_space<hbm>>
    tpu.wait_indirect_dma semaphore(%arg10 : memref<!tpu.dma_semaphore, #tpu.memory_space<semaphore_mem>>) src(%dma_wait3A_162 : memref<100000x512xf32, #tpu.memory_space<hbm>>) dst(%dma_wait3A_157 : memref<32x512xf32, #tpu.memory_space<vmem>>)
    %mul3A_163 = arith.constant 256 : i32
    %mul3A_164 = arith.muli %add3A, %mul3A_163 : i32
    %add3A_165 = arith.constant 64 : i32
    %add3A_166 = arith.addi %mul3A_164, %add3A_165 : i32
    %run_scoped3A_167 = arith.constant 0 : i32
    %run_scoped3A_168 = arith.constant 0 : i32
    "tpu.region"() ({
      %run_scoped3A_325 = tpu.sem_alloc : memref<!tpu.dma_semaphore, #tpu.memory_space<semaphore_mem>>
      %dma_start3A_326 = arith.constant 0 : i32
      %dma_start3A_327 = arith.constant 0 : i32
      %dma_start3A_328 = tpu.memref_slice %arg9[%run_scoped3A_167, %run_scoped3A_168, %dma_start3A_326, %dma_start3A_327] : memref<2x2x50x512xf32, #tpu.memory_space<vmem>> -> memref<1x1x50x512xf32, #tpu.memory_space<vmem>>
      %dma_start3A_329 = tpu.memref_squeeze %dma_start3A_328 : memref<1x1x50x512xf32, #tpu.memory_space<vmem>> -> memref<50x512xf32, #tpu.memory_space<vmem>>
      %dma_start3A_330 = arith.constant 0 : i32
      %dma_start3A_331 = arith.constant 0 : i32
      %dma_start3A_332 = tpu.memref_slice %dma_start3A_329[%dma_start3A_330, %dma_start3A_331] : memref<50x512xf32, #tpu.memory_space<vmem>> -> memref<32x512xf32, #tpu.memory_space<vmem>>
      %dma_start3A_333 = arith.constant 0 : i32
      %dma_start3A_334 = tpu.memref_slice %arg6[%add3A_166, %dma_start3A_333] : memref<8192x512xf32, #tpu.memory_space<hbm>> -> memref<32x512xf32, #tpu.memory_space<hbm>>
      %dma_start3A_335 = arith.constant 0 : i32
      %dma_start3A_336 = tpu.memref_slice %arg6[%add3A_166, %dma_start3A_335] : memref<8192x512xf32, #tpu.memory_space<hbm>> -> memref<32x512xf32, #tpu.memory_space<hbm>>
      %dma_start3A_337 = arith.constant 0 : i32
      %dma_start3A_338 = arith.constant 0 : i32
      %dma_start3A_339 = tpu.memref_slice %arg9[%run_scoped3A_167, %run_scoped3A_168, %dma_start3A_337, %dma_start3A_338] : memref<2x2x50x512xf32, #tpu.memory_space<vmem>> -> memref<1x1x50x512xf32, #tpu.memory_space<vmem>>
      %dma_start3A_340 = tpu.memref_squeeze %dma_start3A_339 : memref<1x1x50x512xf32, #tpu.memory_space<vmem>> -> memref<50x512xf32, #tpu.memory_space<vmem>>
      %dma_start3A_341 = arith.constant 0 : i32
      %dma_start3A_342 = arith.constant 0 : i32
      %dma_start3A_343 = tpu.memref_slice %dma_start3A_340[%dma_start3A_341, %dma_start3A_342] : memref<50x512xf32, #tpu.memory_space<vmem>> -> memref<32x512xf32, #tpu.memory_space<vmem>>
      tpu.enqueue_dma source(%dma_start3A_343 : memref<32x512xf32, #tpu.memory_space<vmem>>) target(%dma_start3A_336 : memref<32x512xf32, #tpu.memory_space<hbm>>) target_semaphore(%run_scoped3A_325 : memref<!tpu.dma_semaphore, #tpu.memory_space<semaphore_mem>>)
      %dma_wait3A_344 = arith.constant 0 : i32
      %dma_wait3A_345 = arith.constant 0 : i32
      %dma_wait3A_346 = tpu.memref_slice %arg9[%run_scoped3A_167, %run_scoped3A_168, %dma_wait3A_344, %dma_wait3A_345] : memref<2x2x50x512xf32, #tpu.memory_space<vmem>> -> memref<1x1x50x512xf32, #tpu.memory_space<vmem>>
      %dma_wait3A_347 = tpu.memref_squeeze %dma_wait3A_346 : memref<1x1x50x512xf32, #tpu.memory_space<vmem>> -> memref<50x512xf32, #tpu.memory_space<vmem>>
      %dma_wait3A_348 = arith.constant 0 : i32
      %dma_wait3A_349 = arith.constant 0 : i32
      %dma_wait3A_350 = tpu.memref_slice %dma_wait3A_347[%dma_wait3A_348, %dma_wait3A_349] : memref<50x512xf32, #tpu.memory_space<vmem>> -> memref<32x512xf32, #tpu.memory_space<vmem>>
      %dma_wait3A_351 = arith.constant 0 : i32
      %dma_wait3A_352 = tpu.memref_slice %arg6[%add3A_166, %dma_wait3A_351] : memref<8192x512xf32, #tpu.memory_space<hbm>> -> memref<32x512xf32, #tpu.memory_space<hbm>>
      %dma_wait3A_353 = arith.constant 0 : i32
      %dma_wait3A_354 = tpu.memref_slice %arg6[%add3A_166, %dma_wait3A_353] : memref<8192x512xf32, #tpu.memory_space<hbm>> -> memref<32x512xf32, #tpu.memory_space<hbm>>
      %dma_wait3A_355 = arith.constant 0 : i32
      %dma_wait3A_356 = arith.constant 0 : i32
      %dma_wait3A_357 = tpu.memref_slice %arg9[%run_scoped3A_167, %run_scoped3A_168, %dma_wait3A_355, %dma_wait3A_356] : memref<2x2x50x512xf32, #tpu.memory_space<vmem>> -> memref<1x1x50x512xf32, #tpu.memory_space<vmem>>
      %dma_wait3A_358 = tpu.memref_squeeze %dma_wait3A_357 : memref<1x1x50x512xf32, #tpu.memory_space<vmem>> -> memref<50x512xf32, #tpu.memory_space<vmem>>
      %dma_wait3A_359 = arith.constant 0 : i32
      %dma_wait3A_360 = arith.constant 0 : i32
      %dma_wait3A_361 = tpu.memref_slice %dma_wait3A_358[%dma_wait3A_359, %dma_wait3A_360] : memref<50x512xf32, #tpu.memory_space<vmem>> -> memref<32x512xf32, #tpu.memory_space<vmem>>
      tpu.wait_dma2 semaphore(%run_scoped3A_325 : memref<!tpu.dma_semaphore, #tpu.memory_space<semaphore_mem>>) src(%dma_wait3A_361 : memref<32x512xf32, #tpu.memory_space<vmem>>) dst(%dma_wait3A_354 : memref<32x512xf32, #tpu.memory_space<hbm>>)
      tpu.yield
    }) : () -> ()
    %dma_start3A_169 = arith.constant 0 : i32
    %dma_start3A_170 = arith.constant 0 : i32
    %dma_start3A_171 = arith.constant 0 : i32
    %dma_start3A_172 = arith.constant 0 : i32
    %dma_start3A_173 = tpu.memref_slice %arg9[%dma_start3A_169, %dma_start3A_170, %dma_start3A_171, %dma_start3A_172] : memref<2x2x50x512xf32, #tpu.memory_space<vmem>> -> memref<1x1x50x512xf32, #tpu.memory_space<vmem>>
    %dma_start3A_174 = tpu.memref_squeeze %dma_start3A_173 : memref<1x1x50x512xf32, #tpu.memory_space<vmem>> -> memref<50x512xf32, #tpu.memory_space<vmem>>
    %dma_start3A_175 = arith.constant 0 : i32
    %dma_start3A_176 = arith.constant 0 : i32
    %dma_start3A_177 = tpu.memref_slice %dma_start3A_174[%dma_start3A_175, %dma_start3A_176] : memref<50x512xf32, #tpu.memory_space<vmem>> -> memref<32x512xf32, #tpu.memory_space<vmem>>
    %dma_start3A_178 = arith.constant 128 : i32
    %dma_start3A_179 = tpu.memref_slice %arg8[%dma_start3A_178] : memref<256xi32, #tpu.memory_space<vmem>> -> memref<32xi32, #tpu.memory_space<vmem>>
    %dma_start3A_180 = arith.constant 0 : i32
    %dma_start3A_181 = arith.constant 0 : i32
    %dma_start3A_182 = tpu.memref_slice %arg4[%dma_start3A_180, %dma_start3A_181] : memref<100000x512xf32, #tpu.memory_space<hbm>> -> memref<100000x512xf32, #tpu.memory_space<hbm>>
    tpu.enqueue_indirect_dma source(%dma_start3A_182 : memref<100000x512xf32, #tpu.memory_space<hbm>>) target(%dma_start3A_177 : memref<32x512xf32, #tpu.memory_space<vmem>>) offsets(%dma_start3A_179 : memref<32xi32, #tpu.memory_space<vmem>>) semaphore(%arg10 : memref<!tpu.dma_semaphore, #tpu.memory_space<semaphore_mem>>)
    %dma_wait3A_183 = arith.constant 1 : i32
    %dma_wait3A_184 = arith.constant 0 : i32
    %dma_wait3A_185 = arith.constant 0 : i32
    %dma_wait3A_186 = arith.constant 0 : i32
    %dma_wait3A_187 = tpu.memref_slice %arg9[%dma_wait3A_183, %dma_wait3A_184, %dma_wait3A_185, %dma_wait3A_186] : memref<2x2x50x512xf32, #tpu.memory_space<vmem>> -> memref<1x1x50x512xf32, #tpu.memory_space<vmem>>
    %dma_wait3A_188 = tpu.memref_squeeze %dma_wait3A_187 : memref<1x1x50x512xf32, #tpu.memory_space<vmem>> -> memref<50x512xf32, #tpu.memory_space<vmem>>
    %dma_wait3A_189 = arith.constant 0 : i32
    %dma_wait3A_190 = arith.constant 0 : i32
    %dma_wait3A_191 = tpu.memref_slice %dma_wait3A_188[%dma_wait3A_189, %dma_wait3A_190] : memref<50x512xf32, #tpu.memory_space<vmem>> -> memref<32x512xf32, #tpu.memory_space<vmem>>
    %dma_wait3A_192 = arith.constant 96 : i32
    %dma_wait3A_193 = tpu.memref_slice %arg8[%dma_wait3A_192] : memref<256xi32, #tpu.memory_space<vmem>> -> memref<32xi32, #tpu.memory_space<vmem>>
    %dma_wait3A_194 = arith.constant 0 : i32
    %dma_wait3A_195 = arith.constant 0 : i32
    %dma_wait3A_196 = tpu.memref_slice %arg4[%dma_wait3A_194, %dma_wait3A_195] : memref<100000x512xf32, #tpu.memory_space<hbm>> -> memref<100000x512xf32, #tpu.memory_space<hbm>>
    tpu.wait_indirect_dma semaphore(%arg11 : memref<!tpu.dma_semaphore, #tpu.memory_space<semaphore_mem>>) src(%dma_wait3A_196 : memref<100000x512xf32, #tpu.memory_space<hbm>>) dst(%dma_wait3A_191 : memref<32x512xf32, #tpu.memory_space<vmem>>)
    %mul3A_197 = arith.constant 256 : i32
    %mul3A_198 = arith.muli %add3A, %mul3A_197 : i32
    %add3A_199 = arith.constant 96 : i32
    %add3A_200 = arith.addi %mul3A_198, %add3A_199 : i32
    %run_scoped3A_201 = arith.constant 1 : i32
    %run_scoped3A_202 = arith.constant 0 : i32
    "tpu.region"() ({
      %run_scoped3A_325 = tpu.sem_alloc : memref<!tpu.dma_semaphore, #tpu.memory_space<semaphore_mem>>
      %dma_start3A_326 = arith.constant 0 : i32
      %dma_start3A_327 = arith.constant 0 : i32
      %dma_start3A_328 = tpu.memref_slice %arg9[%run_scoped3A_201, %run_scoped3A_202, %dma_start3A_326, %dma_start3A_327] : memref<2x2x50x512xf32, #tpu.memory_space<vmem>> -> memref<1x1x50x512xf32, #tpu.memory_space<vmem>>
      %dma_start3A_329 = tpu.memref_squeeze %dma_start3A_328 : memref<1x1x50x512xf32, #tpu.memory_space<vmem>> -> memref<50x512xf32, #tpu.memory_space<vmem>>
      %dma_start3A_330 = arith.constant 0 : i32
      %dma_start3A_331 = arith.constant 0 : i32
      %dma_start3A_332 = tpu.memref_slice %dma_start3A_329[%dma_start3A_330, %dma_start3A_331] : memref<50x512xf32, #tpu.memory_space<vmem>> -> memref<32x512xf32, #tpu.memory_space<vmem>>
      %dma_start3A_333 = arith.constant 0 : i32
      %dma_start3A_334 = tpu.memref_slice %arg6[%add3A_200, %dma_start3A_333] : memref<8192x512xf32, #tpu.memory_space<hbm>> -> memref<32x512xf32, #tpu.memory_space<hbm>>
      %dma_start3A_335 = arith.constant 0 : i32
      %dma_start3A_336 = tpu.memref_slice %arg6[%add3A_200, %dma_start3A_335] : memref<8192x512xf32, #tpu.memory_space<hbm>> -> memref<32x512xf32, #tpu.memory_space<hbm>>
      %dma_start3A_337 = arith.constant 0 : i32
      %dma_start3A_338 = arith.constant 0 : i32
      %dma_start3A_339 = tpu.memref_slice %arg9[%run_scoped3A_201, %run_scoped3A_202, %dma_start3A_337, %dma_start3A_338] : memref<2x2x50x512xf32, #tpu.memory_space<vmem>> -> memref<1x1x50x512xf32, #tpu.memory_space<vmem>>
      %dma_start3A_340 = tpu.memref_squeeze %dma_start3A_339 : memref<1x1x50x512xf32, #tpu.memory_space<vmem>> -> memref<50x512xf32, #tpu.memory_space<vmem>>
      %dma_start3A_341 = arith.constant 0 : i32
      %dma_start3A_342 = arith.constant 0 : i32
      %dma_start3A_343 = tpu.memref_slice %dma_start3A_340[%dma_start3A_341, %dma_start3A_342] : memref<50x512xf32, #tpu.memory_space<vmem>> -> memref<32x512xf32, #tpu.memory_space<vmem>>
      tpu.enqueue_dma source(%dma_start3A_343 : memref<32x512xf32, #tpu.memory_space<vmem>>) target(%dma_start3A_336 : memref<32x512xf32, #tpu.memory_space<hbm>>) target_semaphore(%run_scoped3A_325 : memref<!tpu.dma_semaphore, #tpu.memory_space<semaphore_mem>>)
      %dma_wait3A_344 = arith.constant 0 : i32
      %dma_wait3A_345 = arith.constant 0 : i32
      %dma_wait3A_346 = tpu.memref_slice %arg9[%run_scoped3A_201, %run_scoped3A_202, %dma_wait3A_344, %dma_wait3A_345] : memref<2x2x50x512xf32, #tpu.memory_space<vmem>> -> memref<1x1x50x512xf32, #tpu.memory_space<vmem>>
      %dma_wait3A_347 = tpu.memref_squeeze %dma_wait3A_346 : memref<1x1x50x512xf32, #tpu.memory_space<vmem>> -> memref<50x512xf32, #tpu.memory_space<vmem>>
      %dma_wait3A_348 = arith.constant 0 : i32
      %dma_wait3A_349 = arith.constant 0 : i32
      %dma_wait3A_350 = tpu.memref_slice %dma_wait3A_347[%dma_wait3A_348, %dma_wait3A_349] : memref<50x512xf32, #tpu.memory_space<vmem>> -> memref<32x512xf32, #tpu.memory_space<vmem>>
      %dma_wait3A_351 = arith.constant 0 : i32
      %dma_wait3A_352 = tpu.memref_slice %arg6[%add3A_200, %dma_wait3A_351] : memref<8192x512xf32, #tpu.memory_space<hbm>> -> memref<32x512xf32, #tpu.memory_space<hbm>>
      %dma_wait3A_353 = arith.constant 0 : i32
      %dma_wait3A_354 = tpu.memref_slice %arg6[%add3A_200, %dma_wait3A_353] : memref<8192x512xf32, #tpu.memory_space<hbm>> -> memref<32x512xf32, #tpu.memory_space<hbm>>
      %dma_wait3A_355 = arith.constant 0 : i32
      %dma_wait3A_356 = arith.constant 0 : i32
      %dma_wait3A_357 = tpu.memref_slice %arg9[%run_scoped3A_201, %run_scoped3A_202, %dma_wait3A_355, %dma_wait3A_356] : memref<2x2x50x512xf32, #tpu.memory_space<vmem>> -> memref<1x1x50x512xf32, #tpu.memory_space<vmem>>
      %dma_wait3A_358 = tpu.memref_squeeze %dma_wait3A_357 : memref<1x1x50x512xf32, #tpu.memory_space<vmem>> -> memref<50x512xf32, #tpu.memory_space<vmem>>
      %dma_wait3A_359 = arith.constant 0 : i32
      %dma_wait3A_360 = arith.constant 0 : i32
      %dma_wait3A_361 = tpu.memref_slice %dma_wait3A_358[%dma_wait3A_359, %dma_wait3A_360] : memref<50x512xf32, #tpu.memory_space<vmem>> -> memref<32x512xf32, #tpu.memory_space<vmem>>
      tpu.wait_dma2 semaphore(%run_scoped3A_325 : memref<!tpu.dma_semaphore, #tpu.memory_space<semaphore_mem>>) src(%dma_wait3A_361 : memref<32x512xf32, #tpu.memory_space<vmem>>) dst(%dma_wait3A_354 : memref<32x512xf32, #tpu.memory_space<hbm>>)
      tpu.yield
    }) : () -> ()
    %dma_start3A_203 = arith.constant 1 : i32
    %dma_start3A_204 = arith.constant 0 : i32
    %dma_start3A_205 = arith.constant 0 : i32
    %dma_start3A_206 = arith.constant 0 : i32
    %dma_start3A_207 = tpu.memref_slice %arg9[%dma_start3A_203, %dma_start3A_204, %dma_start3A_205, %dma_start3A_206] : memref<2x2x50x512xf32, #tpu.memory_space<vmem>> -> memref<1x1x50x512xf32, #tpu.memory_space<vmem>>
    %dma_start3A_208 = tpu.memref_squeeze %dma_start3A_207 : memref<1x1x50x512xf32, #tpu.memory_space<vmem>> -> memref<50x512xf32, #tpu.memory_space<vmem>>
    %dma_start3A_209 = arith.constant 0 : i32
    %dma_start3A_210 = arith.constant 0 : i32
    %dma_start3A_211 = tpu.memref_slice %dma_start3A_208[%dma_start3A_209, %dma_start3A_210] : memref<50x512xf32, #tpu.memory_space<vmem>> -> memref<32x512xf32, #tpu.memory_space<vmem>>
    %dma_start3A_212 = arith.constant 160 : i32
    %dma_start3A_213 = tpu.memref_slice %arg8[%dma_start3A_212] : memref<256xi32, #tpu.memory_space<vmem>> -> memref<32xi32, #tpu.memory_space<vmem>>
    %dma_start3A_214 = arith.constant 0 : i32
    %dma_start3A_215 = arith.constant 0 : i32
    %dma_start3A_216 = tpu.memref_slice %arg4[%dma_start3A_214, %dma_start3A_215] : memref<100000x512xf32, #tpu.memory_space<hbm>> -> memref<100000x512xf32, #tpu.memory_space<hbm>>
    tpu.enqueue_indirect_dma source(%dma_start3A_216 : memref<100000x512xf32, #tpu.memory_space<hbm>>) target(%dma_start3A_211 : memref<32x512xf32, #tpu.memory_space<vmem>>) offsets(%dma_start3A_213 : memref<32xi32, #tpu.memory_space<vmem>>) semaphore(%arg11 : memref<!tpu.dma_semaphore, #tpu.memory_space<semaphore_mem>>)
    %dma_wait3A_217 = arith.constant 0 : i32
    %dma_wait3A_218 = arith.constant 0 : i32
    %dma_wait3A_219 = arith.constant 0 : i32
    %dma_wait3A_220 = arith.constant 0 : i32
    %dma_wait3A_221 = tpu.memref_slice %arg9[%dma_wait3A_217, %dma_wait3A_218, %dma_wait3A_219, %dma_wait3A_220] : memref<2x2x50x512xf32, #tpu.memory_space<vmem>> -> memref<1x1x50x512xf32, #tpu.memory_space<vmem>>
    %dma_wait3A_222 = tpu.memref_squeeze %dma_wait3A_221 : memref<1x1x50x512xf32, #tpu.memory_space<vmem>> -> memref<50x512xf32, #tpu.memory_space<vmem>>
    %dma_wait3A_223 = arith.constant 0 : i32
    %dma_wait3A_224 = arith.constant 0 : i32
    %dma_wait3A_225 = tpu.memref_slice %dma_wait3A_222[%dma_wait3A_223, %dma_wait3A_224] : memref<50x512xf32, #tpu.memory_space<vmem>> -> memref<32x512xf32, #tpu.memory_space<vmem>>
    %dma_wait3A_226 = arith.constant 128 : i32
    %dma_wait3A_227 = tpu.memref_slice %arg8[%dma_wait3A_226] : memref<256xi32, #tpu.memory_space<vmem>> -> memref<32xi32, #tpu.memory_space<vmem>>
    %dma_wait3A_228 = arith.constant 0 : i32
    %dma_wait3A_229 = arith.constant 0 : i32
    %dma_wait3A_230 = tpu.memref_slice %arg4[%dma_wait3A_228, %dma_wait3A_229] : memref<100000x512xf32, #tpu.memory_space<hbm>> -> memref<100000x512xf32, #tpu.memory_space<hbm>>
    tpu.wait_indirect_dma semaphore(%arg10 : memref<!tpu.dma_semaphore, #tpu.memory_space<semaphore_mem>>) src(%dma_wait3A_230 : memref<100000x512xf32, #tpu.memory_space<hbm>>) dst(%dma_wait3A_225 : memref<32x512xf32, #tpu.memory_space<vmem>>)
    %mul3A_231 = arith.constant 256 : i32
    %mul3A_232 = arith.muli %add3A, %mul3A_231 : i32
    %add3A_233 = arith.constant 128 : i32
    %add3A_234 = arith.addi %mul3A_232, %add3A_233 : i32
    %run_scoped3A_235 = arith.constant 0 : i32
    %run_scoped3A_236 = arith.constant 0 : i32
    "tpu.region"() ({
      %run_scoped3A_325 = tpu.sem_alloc : memref<!tpu.dma_semaphore, #tpu.memory_space<semaphore_mem>>
      %dma_start3A_326 = arith.constant 0 : i32
      %dma_start3A_327 = arith.constant 0 : i32
      %dma_start3A_328 = tpu.memref_slice %arg9[%run_scoped3A_235, %run_scoped3A_236, %dma_start3A_326, %dma_start3A_327] : memref<2x2x50x512xf32, #tpu.memory_space<vmem>> -> memref<1x1x50x512xf32, #tpu.memory_space<vmem>>
      %dma_start3A_329 = tpu.memref_squeeze %dma_start3A_328 : memref<1x1x50x512xf32, #tpu.memory_space<vmem>> -> memref<50x512xf32, #tpu.memory_space<vmem>>
      %dma_start3A_330 = arith.constant 0 : i32
      %dma_start3A_331 = arith.constant 0 : i32
      %dma_start3A_332 = tpu.memref_slice %dma_start3A_329[%dma_start3A_330, %dma_start3A_331] : memref<50x512xf32, #tpu.memory_space<vmem>> -> memref<32x512xf32, #tpu.memory_space<vmem>>
      %dma_start3A_333 = arith.constant 0 : i32
      %dma_start3A_334 = tpu.memref_slice %arg6[%add3A_234, %dma_start3A_333] : memref<8192x512xf32, #tpu.memory_space<hbm>> -> memref<32x512xf32, #tpu.memory_space<hbm>>
      %dma_start3A_335 = arith.constant 0 : i32
      %dma_start3A_336 = tpu.memref_slice %arg6[%add3A_234, %dma_start3A_335] : memref<8192x512xf32, #tpu.memory_space<hbm>> -> memref<32x512xf32, #tpu.memory_space<hbm>>
      %dma_start3A_337 = arith.constant 0 : i32
      %dma_start3A_338 = arith.constant 0 : i32
      %dma_start3A_339 = tpu.memref_slice %arg9[%run_scoped3A_235, %run_scoped3A_236, %dma_start3A_337, %dma_start3A_338] : memref<2x2x50x512xf32, #tpu.memory_space<vmem>> -> memref<1x1x50x512xf32, #tpu.memory_space<vmem>>
      %dma_start3A_340 = tpu.memref_squeeze %dma_start3A_339 : memref<1x1x50x512xf32, #tpu.memory_space<vmem>> -> memref<50x512xf32, #tpu.memory_space<vmem>>
      %dma_start3A_341 = arith.constant 0 : i32
      %dma_start3A_342 = arith.constant 0 : i32
      %dma_start3A_343 = tpu.memref_slice %dma_start3A_340[%dma_start3A_341, %dma_start3A_342] : memref<50x512xf32, #tpu.memory_space<vmem>> -> memref<32x512xf32, #tpu.memory_space<vmem>>
      tpu.enqueue_dma source(%dma_start3A_343 : memref<32x512xf32, #tpu.memory_space<vmem>>) target(%dma_start3A_336 : memref<32x512xf32, #tpu.memory_space<hbm>>) target_semaphore(%run_scoped3A_325 : memref<!tpu.dma_semaphore, #tpu.memory_space<semaphore_mem>>)
      %dma_wait3A_344 = arith.constant 0 : i32
      %dma_wait3A_345 = arith.constant 0 : i32
      %dma_wait3A_346 = tpu.memref_slice %arg9[%run_scoped3A_235, %run_scoped3A_236, %dma_wait3A_344, %dma_wait3A_345] : memref<2x2x50x512xf32, #tpu.memory_space<vmem>> -> memref<1x1x50x512xf32, #tpu.memory_space<vmem>>
      %dma_wait3A_347 = tpu.memref_squeeze %dma_wait3A_346 : memref<1x1x50x512xf32, #tpu.memory_space<vmem>> -> memref<50x512xf32, #tpu.memory_space<vmem>>
      %dma_wait3A_348 = arith.constant 0 : i32
      %dma_wait3A_349 = arith.constant 0 : i32
      %dma_wait3A_350 = tpu.memref_slice %dma_wait3A_347[%dma_wait3A_348, %dma_wait3A_349] : memref<50x512xf32, #tpu.memory_space<vmem>> -> memref<32x512xf32, #tpu.memory_space<vmem>>
      %dma_wait3A_351 = arith.constant 0 : i32
      %dma_wait3A_352 = tpu.memref_slice %arg6[%add3A_234, %dma_wait3A_351] : memref<8192x512xf32, #tpu.memory_space<hbm>> -> memref<32x512xf32, #tpu.memory_space<hbm>>
      %dma_wait3A_353 = arith.constant 0 : i32
      %dma_wait3A_354 = tpu.memref_slice %arg6[%add3A_234, %dma_wait3A_353] : memref<8192x512xf32, #tpu.memory_space<hbm>> -> memref<32x512xf32, #tpu.memory_space<hbm>>
      %dma_wait3A_355 = arith.constant 0 : i32
      %dma_wait3A_356 = arith.constant 0 : i32
      %dma_wait3A_357 = tpu.memref_slice %arg9[%run_scoped3A_235, %run_scoped3A_236, %dma_wait3A_355, %dma_wait3A_356] : memref<2x2x50x512xf32, #tpu.memory_space<vmem>> -> memref<1x1x50x512xf32, #tpu.memory_space<vmem>>
      %dma_wait3A_358 = tpu.memref_squeeze %dma_wait3A_357 : memref<1x1x50x512xf32, #tpu.memory_space<vmem>> -> memref<50x512xf32, #tpu.memory_space<vmem>>
      %dma_wait3A_359 = arith.constant 0 : i32
      %dma_wait3A_360 = arith.constant 0 : i32
      %dma_wait3A_361 = tpu.memref_slice %dma_wait3A_358[%dma_wait3A_359, %dma_wait3A_360] : memref<50x512xf32, #tpu.memory_space<vmem>> -> memref<32x512xf32, #tpu.memory_space<vmem>>
      tpu.wait_dma2 semaphore(%run_scoped3A_325 : memref<!tpu.dma_semaphore, #tpu.memory_space<semaphore_mem>>) src(%dma_wait3A_361 : memref<32x512xf32, #tpu.memory_space<vmem>>) dst(%dma_wait3A_354 : memref<32x512xf32, #tpu.memory_space<hbm>>)
      tpu.yield
    }) : () -> ()
    %dma_start3A_237 = arith.constant 0 : i32
    %dma_start3A_238 = arith.constant 0 : i32
    %dma_start3A_239 = arith.constant 0 : i32
    %dma_start3A_240 = arith.constant 0 : i32
    %dma_start3A_241 = tpu.memref_slice %arg9[%dma_start3A_237, %dma_start3A_238, %dma_start3A_239, %dma_start3A_240] : memref<2x2x50x512xf32, #tpu.memory_space<vmem>> -> memref<1x1x50x512xf32, #tpu.memory_space<vmem>>
    %dma_start3A_242 = tpu.memref_squeeze %dma_start3A_241 : memref<1x1x50x512xf32, #tpu.memory_space<vmem>> -> memref<50x512xf32, #tpu.memory_space<vmem>>
    %dma_start3A_243 = arith.constant 0 : i32
    %dma_start3A_244 = arith.constant 0 : i32
    %dma_start3A_245 = tpu.memref_slice %dma_start3A_242[%dma_start3A_243, %dma_start3A_244] : memref<50x512xf32, #tpu.memory_space<vmem>> -> memref<32x512xf32, #tpu.memory_space<vmem>>
    %dma_start3A_246 = arith.constant 192 : i32
    %dma_start3A_247 = tpu.memref_slice %arg8[%dma_start3A_246] : memref<256xi32, #tpu.memory_space<vmem>> -> memref<32xi32, #tpu.memory_space<vmem>>
    %dma_start3A_248 = arith.constant 0 : i32
    %dma_start3A_249 = arith.constant 0 : i32
    %dma_start3A_250 = tpu.memref_slice %arg4[%dma_start3A_248, %dma_start3A_249] : memref<100000x512xf32, #tpu.memory_space<hbm>> -> memref<100000x512xf32, #tpu.memory_space<hbm>>
    tpu.enqueue_indirect_dma source(%dma_start3A_250 : memref<100000x512xf32, #tpu.memory_space<hbm>>) target(%dma_start3A_245 : memref<32x512xf32, #tpu.memory_space<vmem>>) offsets(%dma_start3A_247 : memref<32xi32, #tpu.memory_space<vmem>>) semaphore(%arg10 : memref<!tpu.dma_semaphore, #tpu.memory_space<semaphore_mem>>)
    %dma_wait3A_251 = arith.constant 1 : i32
    %dma_wait3A_252 = arith.constant 0 : i32
    %dma_wait3A_253 = arith.constant 0 : i32
    %dma_wait3A_254 = arith.constant 0 : i32
    %dma_wait3A_255 = tpu.memref_slice %arg9[%dma_wait3A_251, %dma_wait3A_252, %dma_wait3A_253, %dma_wait3A_254] : memref<2x2x50x512xf32, #tpu.memory_space<vmem>> -> memref<1x1x50x512xf32, #tpu.memory_space<vmem>>
    %dma_wait3A_256 = tpu.memref_squeeze %dma_wait3A_255 : memref<1x1x50x512xf32, #tpu.memory_space<vmem>> -> memref<50x512xf32, #tpu.memory_space<vmem>>
    %dma_wait3A_257 = arith.constant 0 : i32
    %dma_wait3A_258 = arith.constant 0 : i32
    %dma_wait3A_259 = tpu.memref_slice %dma_wait3A_256[%dma_wait3A_257, %dma_wait3A_258] : memref<50x512xf32, #tpu.memory_space<vmem>> -> memref<32x512xf32, #tpu.memory_space<vmem>>
    %dma_wait3A_260 = arith.constant 160 : i32
    %dma_wait3A_261 = tpu.memref_slice %arg8[%dma_wait3A_260] : memref<256xi32, #tpu.memory_space<vmem>> -> memref<32xi32, #tpu.memory_space<vmem>>
    %dma_wait3A_262 = arith.constant 0 : i32
    %dma_wait3A_263 = arith.constant 0 : i32
    %dma_wait3A_264 = tpu.memref_slice %arg4[%dma_wait3A_262, %dma_wait3A_263] : memref<100000x512xf32, #tpu.memory_space<hbm>> -> memref<100000x512xf32, #tpu.memory_space<hbm>>
    tpu.wait_indirect_dma semaphore(%arg11 : memref<!tpu.dma_semaphore, #tpu.memory_space<semaphore_mem>>) src(%dma_wait3A_264 : memref<100000x512xf32, #tpu.memory_space<hbm>>) dst(%dma_wait3A_259 : memref<32x512xf32, #tpu.memory_space<vmem>>)
    %mul3A_265 = arith.constant 256 : i32
    %mul3A_266 = arith.muli %add3A, %mul3A_265 : i32
    %add3A_267 = arith.constant 160 : i32
    %add3A_268 = arith.addi %mul3A_266, %add3A_267 : i32
    %run_scoped3A_269 = arith.constant 1 : i32
    %run_scoped3A_270 = arith.constant 0 : i32
    "tpu.region"() ({
      %run_scoped3A_325 = tpu.sem_alloc : memref<!tpu.dma_semaphore, #tpu.memory_space<semaphore_mem>>
      %dma_start3A_326 = arith.constant 0 : i32
      %dma_start3A_327 = arith.constant 0 : i32
      %dma_start3A_328 = tpu.memref_slice %arg9[%run_scoped3A_269, %run_scoped3A_270, %dma_start3A_326, %dma_start3A_327] : memref<2x2x50x512xf32, #tpu.memory_space<vmem>> -> memref<1x1x50x512xf32, #tpu.memory_space<vmem>>
      %dma_start3A_329 = tpu.memref_squeeze %dma_start3A_328 : memref<1x1x50x512xf32, #tpu.memory_space<vmem>> -> memref<50x512xf32, #tpu.memory_space<vmem>>
      %dma_start3A_330 = arith.constant 0 : i32
      %dma_start3A_331 = arith.constant 0 : i32
      %dma_start3A_332 = tpu.memref_slice %dma_start3A_329[%dma_start3A_330, %dma_start3A_331] : memref<50x512xf32, #tpu.memory_space<vmem>> -> memref<32x512xf32, #tpu.memory_space<vmem>>
      %dma_start3A_333 = arith.constant 0 : i32
      %dma_start3A_334 = tpu.memref_slice %arg6[%add3A_268, %dma_start3A_333] : memref<8192x512xf32, #tpu.memory_space<hbm>> -> memref<32x512xf32, #tpu.memory_space<hbm>>
      %dma_start3A_335 = arith.constant 0 : i32
      %dma_start3A_336 = tpu.memref_slice %arg6[%add3A_268, %dma_start3A_335] : memref<8192x512xf32, #tpu.memory_space<hbm>> -> memref<32x512xf32, #tpu.memory_space<hbm>>
      %dma_start3A_337 = arith.constant 0 : i32
      %dma_start3A_338 = arith.constant 0 : i32
      %dma_start3A_339 = tpu.memref_slice %arg9[%run_scoped3A_269, %run_scoped3A_270, %dma_start3A_337, %dma_start3A_338] : memref<2x2x50x512xf32, #tpu.memory_space<vmem>> -> memref<1x1x50x512xf32, #tpu.memory_space<vmem>>
      %dma_start3A_340 = tpu.memref_squeeze %dma_start3A_339 : memref<1x1x50x512xf32, #tpu.memory_space<vmem>> -> memref<50x512xf32, #tpu.memory_space<vmem>>
      %dma_start3A_341 = arith.constant 0 : i32
      %dma_start3A_342 = arith.constant 0 : i32
      %dma_start3A_343 = tpu.memref_slice %dma_start3A_340[%dma_start3A_341, %dma_start3A_342] : memref<50x512xf32, #tpu.memory_space<vmem>> -> memref<32x512xf32, #tpu.memory_space<vmem>>
      tpu.enqueue_dma source(%dma_start3A_343 : memref<32x512xf32, #tpu.memory_space<vmem>>) target(%dma_start3A_336 : memref<32x512xf32, #tpu.memory_space<hbm>>) target_semaphore(%run_scoped3A_325 : memref<!tpu.dma_semaphore, #tpu.memory_space<semaphore_mem>>)
      %dma_wait3A_344 = arith.constant 0 : i32
      %dma_wait3A_345 = arith.constant 0 : i32
      %dma_wait3A_346 = tpu.memref_slice %arg9[%run_scoped3A_269, %run_scoped3A_270, %dma_wait3A_344, %dma_wait3A_345] : memref<2x2x50x512xf32, #tpu.memory_space<vmem>> -> memref<1x1x50x512xf32, #tpu.memory_space<vmem>>
      %dma_wait3A_347 = tpu.memref_squeeze %dma_wait3A_346 : memref<1x1x50x512xf32, #tpu.memory_space<vmem>> -> memref<50x512xf32, #tpu.memory_space<vmem>>
      %dma_wait3A_348 = arith.constant 0 : i32
      %dma_wait3A_349 = arith.constant 0 : i32
      %dma_wait3A_350 = tpu.memref_slice %dma_wait3A_347[%dma_wait3A_348, %dma_wait3A_349] : memref<50x512xf32, #tpu.memory_space<vmem>> -> memref<32x512xf32, #tpu.memory_space<vmem>>
      %dma_wait3A_351 = arith.constant 0 : i32
      %dma_wait3A_352 = tpu.memref_slice %arg6[%add3A_268, %dma_wait3A_351] : memref<8192x512xf32, #tpu.memory_space<hbm>> -> memref<32x512xf32, #tpu.memory_space<hbm>>
      %dma_wait3A_353 = arith.constant 0 : i32
      %dma_wait3A_354 = tpu.memref_slice %arg6[%add3A_268, %dma_wait3A_353] : memref<8192x512xf32, #tpu.memory_space<hbm>> -> memref<32x512xf32, #tpu.memory_space<hbm>>
      %dma_wait3A_355 = arith.constant 0 : i32
      %dma_wait3A_356 = arith.constant 0 : i32
      %dma_wait3A_357 = tpu.memref_slice %arg9[%run_scoped3A_269, %run_scoped3A_270, %dma_wait3A_355, %dma_wait3A_356] : memref<2x2x50x512xf32, #tpu.memory_space<vmem>> -> memref<1x1x50x512xf32, #tpu.memory_space<vmem>>
      %dma_wait3A_358 = tpu.memref_squeeze %dma_wait3A_357 : memref<1x1x50x512xf32, #tpu.memory_space<vmem>> -> memref<50x512xf32, #tpu.memory_space<vmem>>
      %dma_wait3A_359 = arith.constant 0 : i32
      %dma_wait3A_360 = arith.constant 0 : i32
      %dma_wait3A_361 = tpu.memref_slice %dma_wait3A_358[%dma_wait3A_359, %dma_wait3A_360] : memref<50x512xf32, #tpu.memory_space<vmem>> -> memref<32x512xf32, #tpu.memory_space<vmem>>
      tpu.wait_dma2 semaphore(%run_scoped3A_325 : memref<!tpu.dma_semaphore, #tpu.memory_space<semaphore_mem>>) src(%dma_wait3A_361 : memref<32x512xf32, #tpu.memory_space<vmem>>) dst(%dma_wait3A_354 : memref<32x512xf32, #tpu.memory_space<hbm>>)
      tpu.yield
    }) : () -> ()
    %dma_start3A_271 = arith.constant 1 : i32
    %dma_start3A_272 = arith.constant 0 : i32
    %dma_start3A_273 = arith.constant 0 : i32
    %dma_start3A_274 = arith.constant 0 : i32
    %dma_start3A_275 = tpu.memref_slice %arg9[%dma_start3A_271, %dma_start3A_272, %dma_start3A_273, %dma_start3A_274] : memref<2x2x50x512xf32, #tpu.memory_space<vmem>> -> memref<1x1x50x512xf32, #tpu.memory_space<vmem>>
    %dma_start3A_276 = tpu.memref_squeeze %dma_start3A_275 : memref<1x1x50x512xf32, #tpu.memory_space<vmem>> -> memref<50x512xf32, #tpu.memory_space<vmem>>
    %dma_start3A_277 = arith.constant 0 : i32
    %dma_start3A_278 = arith.constant 0 : i32
    %dma_start3A_279 = tpu.memref_slice %dma_start3A_276[%dma_start3A_277, %dma_start3A_278] : memref<50x512xf32, #tpu.memory_space<vmem>> -> memref<32x512xf32, #tpu.memory_space<vmem>>
    %dma_start3A_280 = arith.constant 224 : i32
    %dma_start3A_281 = tpu.memref_slice %arg8[%dma_start3A_280] : memref<256xi32, #tpu.memory_space<vmem>> -> memref<32xi32, #tpu.memory_space<vmem>>
    %dma_start3A_282 = arith.constant 0 : i32
    %dma_start3A_283 = arith.constant 0 : i32
    %dma_start3A_284 = tpu.memref_slice %arg4[%dma_start3A_282, %dma_start3A_283] : memref<100000x512xf32, #tpu.memory_space<hbm>> -> memref<100000x512xf32, #tpu.memory_space<hbm>>
    tpu.enqueue_indirect_dma source(%dma_start3A_284 : memref<100000x512xf32, #tpu.memory_space<hbm>>) target(%dma_start3A_279 : memref<32x512xf32, #tpu.memory_space<vmem>>) offsets(%dma_start3A_281 : memref<32xi32, #tpu.memory_space<vmem>>) semaphore(%arg11 : memref<!tpu.dma_semaphore, #tpu.memory_space<semaphore_mem>>)
    %dma_wait3A_285 = arith.constant 0 : i32
    %dma_wait3A_286 = arith.constant 0 : i32
    %dma_wait3A_287 = arith.constant 0 : i32
    %dma_wait3A_288 = arith.constant 0 : i32
    %dma_wait3A_289 = tpu.memref_slice %arg9[%dma_wait3A_285, %dma_wait3A_286, %dma_wait3A_287, %dma_wait3A_288] : memref<2x2x50x512xf32, #tpu.memory_space<vmem>> -> memref<1x1x50x512xf32, #tpu.memory_space<vmem>>
    %dma_wait3A_290 = tpu.memref_squeeze %dma_wait3A_289 : memref<1x1x50x512xf32, #tpu.memory_space<vmem>> -> memref<50x512xf32, #tpu.memory_space<vmem>>
    %dma_wait3A_291 = arith.constant 0 : i32
    %dma_wait3A_292 = arith.constant 0 : i32
    %dma_wait3A_293 = tpu.memref_slice %dma_wait3A_290[%dma_wait3A_291, %dma_wait3A_292] : memref<50x512xf32, #tpu.memory_space<vmem>> -> memref<32x512xf32, #tpu.memory_space<vmem>>
    %dma_wait3A_294 = arith.constant 192 : i32
    %dma_wait3A_295 = tpu.memref_slice %arg8[%dma_wait3A_294] : memref<256xi32, #tpu.memory_space<vmem>> -> memref<32xi32, #tpu.memory_space<vmem>>
    %dma_wait3A_296 = arith.constant 0 : i32
    %dma_wait3A_297 = arith.constant 0 : i32
    %dma_wait3A_298 = tpu.memref_slice %arg4[%dma_wait3A_296, %dma_wait3A_297] : memref<100000x512xf32, #tpu.memory_space<hbm>> -> memref<100000x512xf32, #tpu.memory_space<hbm>>
    tpu.wait_indirect_dma semaphore(%arg10 : memref<!tpu.dma_semaphore, #tpu.memory_space<semaphore_mem>>) src(%dma_wait3A_298 : memref<100000x512xf32, #tpu.memory_space<hbm>>) dst(%dma_wait3A_293 : memref<32x512xf32, #tpu.memory_space<vmem>>)
    %mul3A_299 = arith.constant 256 : i32
    %mul3A_300 = arith.muli %add3A, %mul3A_299 : i32
    %add3A_301 = arith.constant 192 : i32
    %add3A_302 = arith.addi %mul3A_300, %add3A_301 : i32
    %run_scoped3A_303 = arith.constant 0 : i32
    %run_scoped3A_304 = arith.constant 0 : i32
    "tpu.region"() ({
      %run_scoped3A_325 = tpu.sem_alloc : memref<!tpu.dma_semaphore, #tpu.memory_space<semaphore_mem>>
      %dma_start3A_326 = arith.constant 0 : i32
      %dma_start3A_327 = arith.constant 0 : i32
      %dma_start3A_328 = tpu.memref_slice %arg9[%run_scoped3A_303, %run_scoped3A_304, %dma_start3A_326, %dma_start3A_327] : memref<2x2x50x512xf32, #tpu.memory_space<vmem>> -> memref<1x1x50x512xf32, #tpu.memory_space<vmem>>
      %dma_start3A_329 = tpu.memref_squeeze %dma_start3A_328 : memref<1x1x50x512xf32, #tpu.memory_space<vmem>> -> memref<50x512xf32, #tpu.memory_space<vmem>>
      %dma_start3A_330 = arith.constant 0 : i32
      %dma_start3A_331 = arith.constant 0 : i32
      %dma_start3A_332 = tpu.memref_slice %dma_start3A_329[%dma_start3A_330, %dma_start3A_331] : memref<50x512xf32, #tpu.memory_space<vmem>> -> memref<32x512xf32, #tpu.memory_space<vmem>>
      %dma_start3A_333 = arith.constant 0 : i32
      %dma_start3A_334 = tpu.memref_slice %arg6[%add3A_302, %dma_start3A_333] : memref<8192x512xf32, #tpu.memory_space<hbm>> -> memref<32x512xf32, #tpu.memory_space<hbm>>
      %dma_start3A_335 = arith.constant 0 : i32
      %dma_start3A_336 = tpu.memref_slice %arg6[%add3A_302, %dma_start3A_335] : memref<8192x512xf32, #tpu.memory_space<hbm>> -> memref<32x512xf32, #tpu.memory_space<hbm>>
      %dma_start3A_337 = arith.constant 0 : i32
      %dma_start3A_338 = arith.constant 0 : i32
      %dma_start3A_339 = tpu.memref_slice %arg9[%run_scoped3A_303, %run_scoped3A_304, %dma_start3A_337, %dma_start3A_338] : memref<2x2x50x512xf32, #tpu.memory_space<vmem>> -> memref<1x1x50x512xf32, #tpu.memory_space<vmem>>
      %dma_start3A_340 = tpu.memref_squeeze %dma_start3A_339 : memref<1x1x50x512xf32, #tpu.memory_space<vmem>> -> memref<50x512xf32, #tpu.memory_space<vmem>>
      %dma_start3A_341 = arith.constant 0 : i32
      %dma_start3A_342 = arith.constant 0 : i32
      %dma_start3A_343 = tpu.memref_slice %dma_start3A_340[%dma_start3A_341, %dma_start3A_342] : memref<50x512xf32, #tpu.memory_space<vmem>> -> memref<32x512xf32, #tpu.memory_space<vmem>>
      tpu.enqueue_dma source(%dma_start3A_343 : memref<32x512xf32, #tpu.memory_space<vmem>>) target(%dma_start3A_336 : memref<32x512xf32, #tpu.memory_space<hbm>>) target_semaphore(%run_scoped3A_325 : memref<!tpu.dma_semaphore, #tpu.memory_space<semaphore_mem>>)
      %dma_wait3A_344 = arith.constant 0 : i32
      %dma_wait3A_345 = arith.constant 0 : i32
      %dma_wait3A_346 = tpu.memref_slice %arg9[%run_scoped3A_303, %run_scoped3A_304, %dma_wait3A_344, %dma_wait3A_345] : memref<2x2x50x512xf32, #tpu.memory_space<vmem>> -> memref<1x1x50x512xf32, #tpu.memory_space<vmem>>
      %dma_wait3A_347 = tpu.memref_squeeze %dma_wait3A_346 : memref<1x1x50x512xf32, #tpu.memory_space<vmem>> -> memref<50x512xf32, #tpu.memory_space<vmem>>
      %dma_wait3A_348 = arith.constant 0 : i32
      %dma_wait3A_349 = arith.constant 0 : i32
      %dma_wait3A_350 = tpu.memref_slice %dma_wait3A_347[%dma_wait3A_348, %dma_wait3A_349] : memref<50x512xf32, #tpu.memory_space<vmem>> -> memref<32x512xf32, #tpu.memory_space<vmem>>
      %dma_wait3A_351 = arith.constant 0 : i32
      %dma_wait3A_352 = tpu.memref_slice %arg6[%add3A_302, %dma_wait3A_351] : memref<8192x512xf32, #tpu.memory_space<hbm>> -> memref<32x512xf32, #tpu.memory_space<hbm>>
      %dma_wait3A_353 = arith.constant 0 : i32
      %dma_wait3A_354 = tpu.memref_slice %arg6[%add3A_302, %dma_wait3A_353] : memref<8192x512xf32, #tpu.memory_space<hbm>> -> memref<32x512xf32, #tpu.memory_space<hbm>>
      %dma_wait3A_355 = arith.constant 0 : i32
      %dma_wait3A_356 = arith.constant 0 : i32
      %dma_wait3A_357 = tpu.memref_slice %arg9[%run_scoped3A_303, %run_scoped3A_304, %dma_wait3A_355, %dma_wait3A_356] : memref<2x2x50x512xf32, #tpu.memory_space<vmem>> -> memref<1x1x50x512xf32, #tpu.memory_space<vmem>>
      %dma_wait3A_358 = tpu.memref_squeeze %dma_wait3A_357 : memref<1x1x50x512xf32, #tpu.memory_space<vmem>> -> memref<50x512xf32, #tpu.memory_space<vmem>>
      %dma_wait3A_359 = arith.constant 0 : i32
      %dma_wait3A_360 = arith.constant 0 : i32
      %dma_wait3A_361 = tpu.memref_slice %dma_wait3A_358[%dma_wait3A_359, %dma_wait3A_360] : memref<50x512xf32, #tpu.memory_space<vmem>> -> memref<32x512xf32, #tpu.memory_space<vmem>>
      tpu.wait_dma2 semaphore(%run_scoped3A_325 : memref<!tpu.dma_semaphore, #tpu.memory_space<semaphore_mem>>) src(%dma_wait3A_361 : memref<32x512xf32, #tpu.memory_space<vmem>>) dst(%dma_wait3A_354 : memref<32x512xf32, #tpu.memory_space<hbm>>)
      tpu.yield
    }) : () -> ()
    %dma_wait3A_305 = arith.constant 1 : i32
    %dma_wait3A_306 = arith.constant 0 : i32
    %dma_wait3A_307 = arith.constant 0 : i32
    %dma_wait3A_308 = arith.constant 0 : i32
    %dma_wait3A_309 = tpu.memref_slice %arg9[%dma_wait3A_305, %dma_wait3A_306, %dma_wait3A_307, %dma_wait3A_308] : memref<2x2x50x512xf32, #tpu.memory_space<vmem>> -> memref<1x1x50x512xf32, #tpu.memory_space<vmem>>
    %dma_wait3A_310 = tpu.memref_squeeze %dma_wait3A_309 : memref<1x1x50x512xf32, #tpu.memory_space<vmem>> -> memref<50x512xf32, #tpu.memory_space<vmem>>
    %dma_wait3A_311 = arith.constant 0 : i32
    %dma_wait3A_312 = arith.constant 0 : i32
    %dma_wait3A_313 = tpu.memref_slice %dma_wait3A_310[%dma_wait3A_311, %dma_wait3A_312] : memref<50x512xf32, #tpu.memory_space<vmem>> -> memref<32x512xf32, #tpu.memory_space<vmem>>
    %dma_wait3A_314 = arith.constant 224 : i32
    %dma_wait3A_315 = tpu.memref_slice %arg8[%dma_wait3A_314] : memref<256xi32, #tpu.memory_space<vmem>> -> memref<32xi32, #tpu.memory_space<vmem>>
    %dma_wait3A_316 = arith.constant 0 : i32
    %dma_wait3A_317 = arith.constant 0 : i32
    %dma_wait3A_318 = tpu.memref_slice %arg4[%dma_wait3A_316, %dma_wait3A_317] : memref<100000x512xf32, #tpu.memory_space<hbm>> -> memref<100000x512xf32, #tpu.memory_space<hbm>>
    tpu.wait_indirect_dma semaphore(%arg11 : memref<!tpu.dma_semaphore, #tpu.memory_space<semaphore_mem>>) src(%dma_wait3A_318 : memref<100000x512xf32, #tpu.memory_space<hbm>>) dst(%dma_wait3A_313 : memref<32x512xf32, #tpu.memory_space<vmem>>)
    %mul3A_319 = arith.constant 256 : i32
    %mul3A_320 = arith.muli %add3A, %mul3A_319 : i32
    %add3A_321 = arith.constant 224 : i32
    %add3A_322 = arith.addi %mul3A_320, %add3A_321 : i32
    %run_scoped3A_323 = arith.constant 1 : i32
    %run_scoped3A_324 = arith.constant 0 : i32
    "tpu.region"() ({
      %run_scoped3A_325 = tpu.sem_alloc : memref<!tpu.dma_semaphore, #tpu.memory_space<semaphore_mem>>
      %dma_start3A_326 = arith.constant 0 : i32
      %dma_start3A_327 = arith.constant 0 : i32
      %dma_start3A_328 = tpu.memref_slice %arg9[%run_scoped3A_323, %run_scoped3A_324, %dma_start3A_326, %dma_start3A_327] : memref<2x2x50x512xf32, #tpu.memory_space<vmem>> -> memref<1x1x50x512xf32, #tpu.memory_space<vmem>>
      %dma_start3A_329 = tpu.memref_squeeze %dma_start3A_328 : memref<1x1x50x512xf32, #tpu.memory_space<vmem>> -> memref<50x512xf32, #tpu.memory_space<vmem>>
      %dma_start3A_330 = arith.constant 0 : i32
      %dma_start3A_331 = arith.constant 0 : i32
      %dma_start3A_332 = tpu.memref_slice %dma_start3A_329[%dma_start3A_330, %dma_start3A_331] : memref<50x512xf32, #tpu.memory_space<vmem>> -> memref<32x512xf32, #tpu.memory_space<vmem>>
      %dma_start3A_333 = arith.constant 0 : i32
      %dma_start3A_334 = tpu.memref_slice %arg6[%add3A_322, %dma_start3A_333] : memref<8192x512xf32, #tpu.memory_space<hbm>> -> memref<32x512xf32, #tpu.memory_space<hbm>>
      %dma_start3A_335 = arith.constant 0 : i32
      %dma_start3A_336 = tpu.memref_slice %arg6[%add3A_322, %dma_start3A_335] : memref<8192x512xf32, #tpu.memory_space<hbm>> -> memref<32x512xf32, #tpu.memory_space<hbm>>
      %dma_start3A_337 = arith.constant 0 : i32
      %dma_start3A_338 = arith.constant 0 : i32
      %dma_start3A_339 = tpu.memref_slice %arg9[%run_scoped3A_323, %run_scoped3A_324, %dma_start3A_337, %dma_start3A_338] : memref<2x2x50x512xf32, #tpu.memory_space<vmem>> -> memref<1x1x50x512xf32, #tpu.memory_space<vmem>>
      %dma_start3A_340 = tpu.memref_squeeze %dma_start3A_339 : memref<1x1x50x512xf32, #tpu.memory_space<vmem>> -> memref<50x512xf32, #tpu.memory_space<vmem>>
      %dma_start3A_341 = arith.constant 0 : i32
      %dma_start3A_342 = arith.constant 0 : i32
      %dma_start3A_343 = tpu.memref_slice %dma_start3A_340[%dma_start3A_341, %dma_start3A_342] : memref<50x512xf32, #tpu.memory_space<vmem>> -> memref<32x512xf32, #tpu.memory_space<vmem>>
      tpu.enqueue_dma source(%dma_start3A_343 : memref<32x512xf32, #tpu.memory_space<vmem>>) target(%dma_start3A_336 : memref<32x512xf32, #tpu.memory_space<hbm>>) target_semaphore(%run_scoped3A_325 : memref<!tpu.dma_semaphore, #tpu.memory_space<semaphore_mem>>)
      %dma_wait3A_344 = arith.constant 0 : i32
      %dma_wait3A_345 = arith.constant 0 : i32
      %dma_wait3A_346 = tpu.memref_slice %arg9[%run_scoped3A_323, %run_scoped3A_324, %dma_wait3A_344, %dma_wait3A_345] : memref<2x2x50x512xf32, #tpu.memory_space<vmem>> -> memref<1x1x50x512xf32, #tpu.memory_space<vmem>>
      %dma_wait3A_347 = tpu.memref_squeeze %dma_wait3A_346 : memref<1x1x50x512xf32, #tpu.memory_space<vmem>> -> memref<50x512xf32, #tpu.memory_space<vmem>>
      %dma_wait3A_348 = arith.constant 0 : i32
      %dma_wait3A_349 = arith.constant 0 : i32
      %dma_wait3A_350 = tpu.memref_slice %dma_wait3A_347[%dma_wait3A_348, %dma_wait3A_349] : memref<50x512xf32, #tpu.memory_space<vmem>> -> memref<32x512xf32, #tpu.memory_space<vmem>>
      %dma_wait3A_351 = arith.constant 0 : i32
      %dma_wait3A_352 = tpu.memref_slice %arg6[%add3A_322, %dma_wait3A_351] : memref<8192x512xf32, #tpu.memory_space<hbm>> -> memref<32x512xf32, #tpu.memory_space<hbm>>
      %dma_wait3A_353 = arith.constant 0 : i32
      %dma_wait3A_354 = tpu.memref_slice %arg6[%add3A_322, %dma_wait3A_353] : memref<8192x512xf32, #tpu.memory_space<hbm>> -> memref<32x512xf32, #tpu.memory_space<hbm>>
      %dma_wait3A_355 = arith.constant 0 : i32
      %dma_wait3A_356 = arith.constant 0 : i32
      %dma_wait3A_357 = tpu.memref_slice %arg9[%run_scoped3A_323, %run_scoped3A_324, %dma_wait3A_355, %dma_wait3A_356] : memref<2x2x50x512xf32, #tpu.memory_space<vmem>> -> memref<1x1x50x512xf32, #tpu.memory_space<vmem>>
      %dma_wait3A_358 = tpu.memref_squeeze %dma_wait3A_357 : memref<1x1x50x512xf32, #tpu.memory_space<vmem>> -> memref<50x512xf32, #tpu.memory_space<vmem>>
      %dma_wait3A_359 = arith.constant 0 : i32
      %dma_wait3A_360 = arith.constant 0 : i32
      %dma_wait3A_361 = tpu.memref_slice %dma_wait3A_358[%dma_wait3A_359, %dma_wait3A_360] : memref<50x512xf32, #tpu.memory_space<vmem>> -> memref<32x512xf32, #tpu.memory_space<vmem>>
      tpu.wait_dma2 semaphore(%run_scoped3A_325 : memref<!tpu.dma_semaphore, #tpu.memory_space<semaphore_mem>>) src(%dma_wait3A_361 : memref<32x512xf32, #tpu.memory_space<vmem>>) dst(%dma_wait3A_354 : memref<32x512xf32, #tpu.memory_space<hbm>>)
      tpu.yield
    }) : () -> ()
    return
  }
}

module attributes {stable_mosaic.version = 14 : i64} {
  func.func @_patch_body(%arg0: i32, %arg1: memref<256x512xf32, #tpu.memory_space<vmem>>, %arg2: memref<128x8x512xf32, #tpu.memory_space<vmem>>, %arg3: memref<128x8x512xf32, #tpu.memory_space<vmem>>) attributes {dimension_semantics = [#tpu.dimension_semantics<arbitrary>], iteration_bounds = array<i64: 32>, scalar_prefetch = 0 : i64, scratch_operands = 0 : i64, tpu.core_type = #tpu.core_type<tc>, window_params = [{transform_indices = @transform_0, window_bounds = array<i64: 256, 512>}, {transform_indices = @transform_1, window_bounds = array<i64: 128, 8, 512>}, {transform_indices = @transform_2, window_bounds = array<i64: 128, 8, 512>}]} {
    %get3A = arith.constant 0 : index
    %get3A_0 = arith.constant 0 : index
    %get3A_1 = vector.load %arg1[%get3A, %get3A_0] : memref<256x512xf32, #tpu.memory_space<vmem>>, vector<256x512xf32>
    %reshape3A = vector.shape_cast %get3A_1 : vector<256x512xf32> to vector<128x2x512xf32>
    %swap3A = arith.constant 0 : index
    %swap3A_2 = arith.constant 0 : index
    %swap3A_3 = arith.constant 0 : index
    %swap3A_4 = vector.load %arg3[%swap3A, %swap3A_2, %swap3A_3] : memref<128x8x512xf32, #tpu.memory_space<vmem>>, vector<128x2x512xf32>
    tpu.vector_store %arg3[%swap3A, %swap3A_2, %swap3A_3], %reshape3A {strides = array<i32>} : memref<128x8x512xf32, #tpu.memory_space<vmem>>, vector<128x2x512xf32>,
    return
  }
  func.func @transform_0(%arg0: i32) -> (i32, i32) {
    %c0_i32 = arith.constant 0 : i32
    %c0_i32_0 = arith.constant 0 : i32
    return %arg0, %c0_i32 : i32, i32
  }
  func.func @transform_1(%arg0: i32) -> (i32, i32, i32) {
    %c6_i32 = arith.constant 6 : i32
    %c0_i32 = arith.constant 0 : i32
    %c0_i32_0 = arith.constant 0 : i32
    return %arg0, %c6_i32, %c0_i32 : i32, i32, i32
  }
  func.func @transform_2(%arg0: i32) -> (i32, i32, i32) {
    %c6_i32 = arith.constant 6 : i32
    %c0_i32 = arith.constant 0 : i32
    %c0_i32_0 = arith.constant 0 : i32
    return %arg0, %c6_i32, %c0_i32 : i32, i32, i32
  }
}

</mosaic_0001>

<sc_bundles>
// kernel: kernel.4.cloned.1.call-start
scs
__scs_entry_jumppad:
0x0: {  	(pc) =	sbr.rel $0x88, $3  }
0x1: {  	(tag) =	ssettag $0x0;
	lr =	simm.s32 $0x1  }
0x2: {  	[smem:$0x3F9F] =	sst lr;
	_ =	strace $0xD0000000  }
0x3: {  	_ = 	snop  }
0x4: {  	_ = 	snop  }
0x5: {  	_ = 	snop  }
0x6: {  	_ = 	snop  }
0x7: {  	_ = 	snop  }
__scs_overlays_trampoline_lowered:
0x8: {  	[smem:$0x3FAE] =	sst s0  }
0x9: {  	[smem:$0x3FAF] =	sst s1  }
0xa: {  	[smem:$0x3FB0] =	sst s2  }
0xb: {  	[smem:$0x3FB1] =	sst s3  }
0xc: {  	[smem:$0x3FB2] =	sst s4  }
0xd: {  	[smem:$0x3FB3] =	sst s5  }
0xe: {  	[smem:$0x3FB4] =	sst s6  }
0xf: {  	[smem:$0x3FB5] =	sst s7  }
0x10: {  	[smem:$0x3FB6] =	sst s8  }
0x11: {  	[smem:$0x3FB7] =	sst s9;
	s0 =	simm.s32 @!p0 $0x0  }
0x12: {  	s1 =	sld [smem:$0x3F9D];
	s0 =	simm.s32 @p0 $0x1  }
0x13: {  	[smem:$0x3FB8] =	sst s0;
	s0 =	simm.s32 @!p1 $0x0  }
0x14: {  	s2 =	sld [smem:$0x3F9C];
	s0 =	simm.s32 @p1 $0x1  }
0x15: {  	[smem:$0x3FB9] =	sst s0;
	s0 =	simm.s32 @!p2 $0x0  }
0x16: {  	s3 =	sld [smem:$0x3FDB];
	s0 =	simm.s32 @p2 $0x1  }
0x17: {  	s4 =	simm.s32 $0x1BF5;
	[smem:$0x3FBB] =	sst s0  }
0x18: {  	s0 =	sld [smem:$0x3F9E];
	_ =	swait.ge [sflag:s4], $0x0  }
0x19: {  	s7 =	sld [smem:$0x3F9F]  }
0x1a: {  	s8 =	sadd.s32 $0xFFFFE003, lr  }
0x1b: {  	s9 =	sadd.s32 $0xFFFFFEF7, lr;
	s5 =	simm.s32 $0xFFFFFFFF;
	p2 =	slt.u32 s8, $0xFFFFF086  }
0x1c: {  	p1 =	slt.u32 s9, $0xF7A;
	s5 =	simm.s32 @!p2 $0x0  }
0x1d: {  	s5 =	simm.s32 @p1 $0x1;
	p0 =	seq.s32 s7, s2  }
0x1e: {  	s7 =	smul.u32 @!p0 $0xF7A, s2;
	p2 =	seq.s32 @!p0 s5, $0x0  }
0x1f: {  	s9 =	smul.u32 $0xF7A, s1;
	s8 =	simm.s32 @!p0 $0x1BF5;
	p2 =	por !p2, p0  }
0x20: {  	[sflag:s8] =	ssyncset.s32 @!p0 $0xFFFFF086;
	s6 =	sadd.s32 @!p0 s3, s7;
	s7 =	simm.s32 @!p0 $0x108  }
0x21: {  	s3 =	sadd.s32 s3, s9;
	s6 =	sadd.s32 @!p0 $0x88, s6;
	s7 =	simm.s32 @p2 $0x1082  }
0x22: {  	[simem:s7], [sflag:s8] =	dma.local @!p0 [hbm:s6], $0xF7A  }
0x23: {  	s9 =	sor.u32 $0xD0000000, s2;
	s6 =	simm.s32 $0x108;
	_ =	swait.ge @!p0 [sflag:s8], $0x0  }
0x24: {  	s3 =	sadd.s32 $0x88, s3;
	s6 =	simm.s32 @!p1 $0x1082;
	[sflag:s4] =	ssyncset.s32 $0xFFFFF086  }
0x25: {  	[simem:s6], [sflag:s4] =	dma.local [hbm:s3], $0xF7A  }
0x26: {  	[smem:$0x3F9F] =	sst s1;
	(tag) =	ssettag s2;
	_ =	strace s9  }
0x27: {  	s1 =	sld [smem:$0x3FAF]  }
0x28: {  	s2 =	sld [smem:$0x3FB0]  }
0x29: {  	s4 =	sld [smem:$0x3FB2]  }
0x2a: {  	p0 =	seq.s32 s5, $0x0;
	s5 =	sld [smem:$0x3FB3]  }
0x2b: {  	s6 =	sld [smem:$0x3FB4]  }
0x2c: {  	s7 =	sld [smem:$0x3FB5]  }
0x2d: {  	s3 =	simm.s32 $0x108;
	s8 =	sld [smem:$0x3FB6]  }
0x2e: {  	s3 =	simm.s32 @!p0 $0x1082;
	s9 =	sld [smem:$0x3FB7]  }
0x2f: {  	lr =	sadd.s32 s0, s3;
	s0 =	sld [smem:$0x3FAE]  }
0x30: {  	s3 =	sld [smem:$0x3FB1]  }
0x31: {  	[smem:$0x3FBA] =	sst s10  }
0x32: {  	s10 =	sld [smem:$0x3FB8];
	_ =	sdelay $0x3  }
0x33: {  	p0 =	seq.s32 s10, $0x1;
	s10 =	sld [smem:$0x3FBA];
	_ =	sdelay $0x3  }
0x34: {  	[smem:$0x3FBA] =	sst s10  }
0x35: {  	s10 =	sld [smem:$0x3FB9];
	_ =	sdelay $0x3  }
0x36: {  	p1 =	seq.s32 s10, $0x1;
	s10 =	sld [smem:$0x3FBA];
	_ =	sdelay $0x3  }
0x37: {  	[smem:$0x3FBA] =	sst s10  }
0x38: {  	s10 =	sld [smem:$0x3FBB]  }
0x39: {  	_ = 	snop;
	(pc) =	sbr.ind lr, $3  }
0x3a: {  	_ = 	snop  }
0x3b: {  	_ = 	snop  }
0x3c: {  	p2 =	seq.s32 s10, $0x1;
	s10 =	sld [smem:$0x3FBA]  }
0x3d: {  	_ =	shalt  }
0x3e: {  	_ =	shalt  }
0x3f: {  	_ =	shalt  }
0x40: {  	_ =	shalt  }
0x41: {  	_ =	shalt  }
0x42: {  	_ =	shalt  }
0x43: {  	_ =	shalt  }
0x44: {  	_ =	shalt  }
0x45: {  	_ =	shalt  }
0x46: {  	_ =	shalt  }
0x47: {  	_ =	shalt  }
0x48: {  	_ =	shalt  }
0x49: {  	_ =	shalt  }
0x4a: {  	_ =	shalt  }
0x4b: {  	_ =	shalt  }
0x4c: {  	_ =	shalt  }
0x4d: {  	_ =	shalt  }
0x4e: {  	_ =	shalt  }
0x4f: {  	_ =	shalt  }
0x50: {  	_ =	shalt  }
0x51: {  	_ =	shalt  }
0x52: {  	_ =	shalt  }
0x53: {  	_ =	shalt  }
0x54: {  	_ =	shalt  }
0x55: {  	_ =	shalt  }
0x56: {  	_ =	shalt  }
0x57: {  	_ =	shalt  }
0x58: {  	_ =	shalt  }
0x59: {  	_ =	shalt  }
0x5a: {  	_ =	shalt  }
0x5b: {  	_ =	shalt  }
0x5c: {  	_ =	shalt  }
0x5d: {  	_ =	shalt  }
0x5e: {  	_ =	shalt  }
0x5f: {  	_ =	shalt  }
0x60: {  	_ =	shalt  }
0x61: {  	_ =	shalt  }
0x62: {  	_ =	shalt  }
0x63: {  	_ =	shalt  }
0x64: {  	_ =	shalt  }
0x65: {  	_ =	shalt  }
0x66: {  	_ =	shalt  }
0x67: {  	_ =	shalt  }
0x68: {  	_ =	shalt  }
0x69: {  	_ =	shalt  }
0x6a: {  	_ =	shalt  }
0x6b: {  	_ =	shalt  }
0x6c: {  	_ =	shalt  }
0x6d: {  	_ =	shalt  }
0x6e: {  	_ =	shalt  }
0x6f: {  	_ =	shalt  }
0x70: {  	_ =	shalt  }
0x71: {  	_ =	shalt  }
0x72: {  	_ =	shalt  }
0x73: {  	_ =	shalt  }
0x74: {  	_ =	shalt  }
0x75: {  	_ =	shalt  }
0x76: {  	_ =	shalt  }
0x77: {  	_ =	shalt  }
0x78: {  	_ =	shalt  }
0x79: {  	_ =	shalt  }
0x7a: {  	_ =	shalt  }
0x7b: {  	_ =	shalt  }
0x7c: {  	_ =	shalt  }
0x7d: {  	_ =	shalt  }
0x7e: {  	_ =	shalt  }
0x7f: {  	_ =	shalt  }
0x80: {  	_ =	shalt  }
0x81: {  	_ =	shalt  }
0x82: {  	_ =	shalt  }
0x83: {  	_ =	shalt  }
0x84: {  	_ =	shalt  }
0x85: {  	_ =	shalt  }
0x86: {  	_ =	shalt  }
0x87: {  	_ =	shalt  }
.Lfunc_end0:
.L_simem_size_0:
called_computation_lowered:
.L_overlay_start_0:
0x88: {  	s2 =	sld [smem:$0x3FD9]  }
0x89: {  	s3 =	sld [smem:$0x3FFE];
	_ =	sdelay $0x1  }
0x8a: {  	s1 =	srdreg.scid  }
0x8b: {  	s0 =	sand.u32 $0x1, s1  }
0x8c: {  	s17 =	sshll.u32 s0, $0xA;
	s2 =	sadd.s32 s3, s2  }
0x8d: {  	s2 =	sadd.s32 s2, s17  }
0x8e: {  	[smem:$0x3FC6] =	sst s2  }
0x8f: {  	_ = 	snop  }
0x90: {  	s2 =	sld [smem:$0x3FC8]  }
0x91: {  	s18 =	sld [smem:$0x3FD0];
	(tm) =	ssettm $0x1  }
0x92: {  	s4 =	sld [smem:$0x3FFB];
	_ =	sdelay $0x3  }
0x93: {  	_ =	strace s4  }
0x94: {  	s4 =	sld [smem:$0x3FFC];
	_ =	sdelay $0x3  }
0x95: {  	_ =	strace s4  }
0x96: {  	s4 =	sld [smem:$0x3FFD];
	_ =	sdelay $0x3  }
0x97: {  	_ =	strace s4  }
0x98: {  	_ =	strace $0x8FFFFFFF  }
0x99: {  	s19 =	sld [smem:$0x3FDB];
	_ =	sdelay $0x1  }
0x9a: {  	s5 =	simm.s32 $_scs_section_size  }
0x9b: {  	s6 =	simm.s32 $_size__tile_overlayer_lowered;
	s7 =	simm.s32 $_tile_overlayer_lowered  }
0x9c: {  	s22 =	simm.s32 $0x1BFF;
	s21 =	sshll.u32 s7, $0x1;
	s4 =	sadd.s32 s5, s19  }
0x9d: {  	s8 =	simm.s32 $0x0;
	s20 =	sshll.u32 s6, $0x1;
	s6 =	sadd.s32 s21, s4  }
0x9e: {  	[timem:s8], [sflag:s22] =	dma.local [hbm:s6], s20  }
0x9f: {  	_ =	swait.ge [sflag:s22], s20  }
0xa0: {  	s5 =	ssub.s32 $0x0, s20;
	[sflag:s22] =	ssyncset.done $0x0  }
0xa1: {  	[sflag:s22] =	ssyncadd.s32 s5;
	_ =	sdelay $0x1  }
0xa2: {  	s23 =	simm.s32 $0x1B8B  }
0xa3: {  	_ =	swait.ge [sflag:s23], $0x1  }
0xa4: {  	[sflag:s23] =	ssyncset.done $0x0  }
0xa5: {  	s25 =	simm.s32 $0x1B8E;
	s24 =	sld [smem:$0x3FFE];
	[sflag:s23] =	ssyncadd.s32 $0xFFFFFFFF  }
0xa6: {  	s26 =	simm.s32 $execute0_lowered;
	[smem:$0x3FD2] =	sst s25  }
0xa7: {  	s6 =	sshll.u32 s26, $0x1;
	_ =	strace $0x80000046;
	[dreg:$0x1] =	wrdreg $0xFFFFFFFF  }
0xa8: {  	s28 =	simm.s32 $_size_execute0_lowered;
	s4 =	sadd.s32 s4, s6;
	[dreg:$0x0] =	wrdreg $0x0  }
0xa9: {  	s6 =	sshll.u32 s28, $0x1;
	[dreg:$0x2] =	wrdreg s4  }
0xaa: {  	[dreg:$0x3] =	wrdreg s6  }
0xab: {  	[dreg:$0x4] =	wrdreg $0xC0  }
0xac: {  	_ =	task [dreg:s8], $0x5FFFF  }
0xad: {  	[dreg:$0x1] =	wrdreg $0xFFFFFFFF  }
0xae: {  	[dreg:$0x0] =	wrdreg $0x60  }
0xaf: {  	[dreg:$0x2] =	wrdreg s24  }
0xb0: {  	[dreg:$0x3] =	wrdreg s2  }
0xb1: {  	[dreg:$0x4] =	wrdreg s18  }
0xb2: {  	[dreg:$0x5] =	wrdreg $0x9  }
0xb3: {  	_ =	task.clear_ibuf [dreg:s8], $0x6FFFF;
	_ =	strace $0x90000046  }
0xb4: {  	s29 =	simm.s32 $0x9;
	_ =	strace $0x80000048  }
0xb5: {  	_ =	swait.ge [sflag:s29], $0x1  }
0xb6: {  	[sflag:s29] =	ssyncadd.s32 $0xFFFFFFFF  }
0xb7: {  	_ =	strace $0x90000048  }
0xb8: {  	_ =	sfence  }
0xb9: {  	s30 =	sld [smem:$0x0];
	_ =	sdelay $0x2  }
0xba: {  	s31 =	sshll.u32 s1, $0xD;
	s1 =	sshrl.u32 s1, $0x2  }
0xbb: {  	s3 =	sand.u32 $0x4000, s31;
	s1 =	sadd.s32 s1, s30  }
0xbc: {  	s0 =	sor.u32 s3, s0;
	s1 =	sshll.u32 s1, $0x11  }
0xbd: {  	s0 =	sor.u32 s1, s0  }
0xbe: {  	s0 =	sadd.s32 $0x8F2B, s0  }
0xbf: {  	[sflag:s0] =	ssyncadd.remote.s32 $0x1  }
0xc0: {  	_ =	sfence.sel $0xFFFF  }
0xc1: {  	[dreg:$0x0] =	wrdreg $0xFFFFFFFF;
	(pc) =	sbr.abs _section_cstart, $3  }
0xc2: {  	[dreg:$0x1] =	wrdreg $0xFFFFFFFF  }
0xc3: {  	_ =	task.clear_ibuf [dreg:s8], $0x2FFFF;
	_ =	strace $0x9FFFFFFF  }
0xc4: {  	(tm) =	ssettm $0x7FFFFFFF  }
0xc5: {  	_ =	shalt  }
tec
execute0_lowered:
.L_overlay_start_1:
0x0: {  	(tag) =	ssettag $0x1  }
0x1: {  	s0 =	rddreg [dreg:$0x0]  }
0x2: {  	s2 =	rddreg [dreg:$0x1];
	s1 =	srdreg.scid  }
0x3: {  	s7 =	stileid.u32;
	s4 =	rddreg [dreg:$0x2]  }
0x4: {  	s3 =	simm.s32 $0x0;
	s17 =	simm.s32 $0x3;
	s19 =	simm.s32 $0x1D00  }
0x5: {  	s15 =	simm.s32 $0x2500;
	s28 =	simm.s32 $0x2D00;
	s30 =	simm.s32 $0xFD00  }
0x6: {  	s31 =	simm.s32 $0x10500;
	s18 =	simm.s32 $0x11D00;
	s10 =	simm.s32 $0x1CD00  }
0x7: {  	s11 =	simm.s32 $0x1D500;
	s12 =	simm.s32 $0x1;
	s13 =	simm.s32 $0x2  }
0x8: {  	s14 =	simm.s32 $0x0;
	s1 =	sand.u32 $0x1, s1;
	s5 =	sshll.u32 s7, $0x1  }
0x9: {  	[smem:$0x7FF] =	sst s3;
	s7 =	smul.u32 $0xE0000, s7;
	s5 =	sor.u32 s1, s5  }
0xa: {  	s6 =	smul.u32 $0x380, s5;
	s8 =	sshll.u32 s5, $0x5;
	s5 =	sshll.u32 s5, $0xE  }
0xb: {  	_ =	strace $0x80000047;
	s8 =	sadd.s32 s8, s0;
	s4 =	sadd.s32 s4, s5  }
0xc: {  	s9 =	ssub.s32 $0x2, s1;
	s21 =	sadd.s32 $0xA00, s8;
	[dreg:$0x6] =	wrdreg s4  }
0xd: {  	s1 =	smul.u32 $0x70000, s1;
	s5 =	sadd.s32 $0x800, s4;
	[dreg:$0x5] =	wrdreg s21  }
0xe: {  	s20 =	sshrl.u32 s9, $0x1;
	s22 =	sadd.s32 $0x1000, s4;
	[dreg:$0x7] =	wrdreg s5  }
0xf: {  	s6 =	sadd.s32 s6, s0;
	s23 =	sadd.s32 $0x1800, s4;
	[dreg:$0x8] =	wrdreg s22  }
0x10: {  	s0 =	sadd.s32 s7, s0;
	s24 =	sadd.s32 $0x2000, s4;
	[dreg:$0x9] =	wrdreg s23  }
0x11: {  	s7 =	ssub.s32 s9, s20;
	s25 =	sadd.s32 $0x2800, s4;
	[dreg:$0xa] =	wrdreg s24  }
0x12: {  	s26 =	sadd.s32 $0x3000, s4;
	s4 =	sadd.s32 $0x3800, s4;
	[dreg:$0xb] =	wrdreg s25  }
0x13: {  	s8 =	simm.s32 $0x13500;
	s9 =	simm.s32 $0x1C500;
	[dreg:$0xc] =	wrdreg s26  }
0x14: {  	s6 =	sadd.s32 $0xE00, s6;
	[dreg:$0xd] =	wrdreg s4;
	s0 =	sadd.s32 s1, s0  }
.Ltmp0:
0x15: {  	s29 =	smax.u32 s7, $0x1;
	s1 =	simm.s32 $0x10D00;
	(pc) =	sbr.rel .LBB2_1-.Ltmp0, $4  }
0x16: {  	s4 =	simm.s32 $0x12500;
	s5 =	simm.s32 $0x12D00;
	s22 =	simm.s32 $0x19D00  }
0x17: {  	v2 =	vlaneseq.u32;
	vm1 =	vcmask $0x2720;
	vm2 =	vcmask $0x700;
	s23 =	simm.s32 $0x1A500;
	s24 =	simm.s32 $0x1AD00;
	s25 =	simm.s32 $0x1B500  }
0x18: {  	vm0 =	vmmov $0xffff;
	v0 =	vand.u32 $0x7, v2;
	v1 =	vshrl.u32 v2, $0x3;
	s26 =	simm.s32 $0x1BD00;
	[dreg:$0x4] =	wrdreg s6;
	s6 =	sadd.s32 $0x100, s2  }
0x19: {  	v2 =	vor.u32 $0x8, v2;
	vm1 =	vmor vm2, vm1;
	v1 =	vmul.u32 $0x8, v1;
	[dreg:$0xe] =	wrdreg s29;
	s16 =	sadd.s32 $0x7E00, s0;
	s0 =	simm.s32 $0x11500  }
.LBB2_6:
0x1a: {  	v3 =	vld [tilespmem:$0x1C00];
	_ =	sdelay $0x4  }
0x1b: {  	v4 =	vshll.u32 v3, $0x2  }
0x1c: {  	v3 =	vand.u32 $0x7, v3;
	v4 =	vand.u32 $0xFFFFFFE0, v4  }
0x1d: {  	v3 =	vor.u32 v3, v4  }
0x1e: {  	v4 =	vperm.xlane v3, v0;
	_ =	sdelay $0x1  }
0x1f: {  	v4 =	vadd.s32 v1, v4;
	_ =	sdelay $0x1  }
0x20: {  	v3 =	vperm.xlane v3, v2;
	_ =	sdelay $0x1  }
0x21: {  	v3 =	vadd.s32 v1, v3  }
0x22: {  	[tilespmem:s19], [sflag:$0x1] =	stream.indirect_vreg.gather [hbm4b:s2+s3], $0x80, v4, vm0, $0xb8;
	[tilespmem:$0x1DD00] =	vst v63  }
0x23: {  	s15 =	simm.s32 $0x2500  }
0x24: {  	[tilespmem:s15], [sflag:$0x1] =	stream.indirect_vreg.gather [hbm4b:s6+s3], $0x80, v4, vm0, $0xb8;
	[tilespmem:$0x1DD00] =	vst v63  }
0x25: {  	_ = 	snop  }
0x26: {  	[tilespmem:s28], [sflag:$0x1] =	stream.indirect_vreg.gather [hbm4b:s2+s3], $0x80, v3, vm0, $0xb8;
	[tilespmem:$0x1DD00] =	vst v63  }
0x27: {  	s7 =	simm.s32 $0x3500  }
0x28: {  	[tilespmem:s7], [sflag:$0x1] =	stream.indirect_vreg.gather [hbm4b:s6+s3], $0x80, v3, vm0, $0xb8;
	[tilespmem:$0x1DD00] =	vst v63  }
0x29: {  	v3 =	vld [tilespmem:$0x1C10];
	_ =	sdelay $0x4  }
0x2a: {  	v49 =	vshll.u32 v3, $0x2  }
0x2b: {  	v3 =	vand.u32 $0x7, v3;
	v4 =	vand.u32 $0xFFFFFFE0, v49  }
0x2c: {  	v3 =	vor.u32 v3, v4  }
0x2d: {  	v4 =	vperm.xlane v3, v0;
	_ =	sdelay $0x1  }
0x2e: {  	v4 =	vadd.s32 v1, v4;
	_ =	sdelay $0x1  }
0x2f: {  	v3 =	vperm.xlane v3, v2;
	_ =	sdelay $0x1  }
0x30: {  	v3 =	vadd.s32 v1, v3  }
0x31: {  	[tilespmem:s29], [sflag:$0x1] =	stream.indirect_vreg.gather [hbm4b:s2+s3], $0x80, v4, vm0, $0xb8;
	[tilespmem:$0x1DD00] =	vst v63  }
0x32: {  	s14 =	simm.s32 $0x4500  }
0x33: {  	[tilespmem:s14], [sflag:$0x1] =	stream.indirect_vreg.gather [hbm4b:s6+s3], $0x80, v4, vm0, $0xb8;
	[tilespmem:$0x1DD00] =	vst v63  }
0x34: {  	_ = 	snop  }
0x35: {  	[tilespmem:s20], [sflag:$0x1] =	stream.indirect_vreg.gather [hbm4b:s2+s3], $0x80, v3, vm0, $0xb8;
	[tilespmem:$0x1DD00] =	vst v63  }
0x36: {  	s21 =	simm.s32 $0x5500  }
0x37: {  	[tilespmem:s21], [sflag:$0x1] =	stream.indirect_vreg.gather [hbm4b:s6+s3], $0x80, v3, vm0, $0xb8;
	[tilespmem:$0x1DD00] =	vst v63  }
0x38: {  	v3 =	vld [tilespmem:$0x1C20];
	_ =	sdelay $0x4  }
0x39: {  	v50 =	vshll.u32 v3, $0x2  }
0x3a: {  	v3 =	vand.u32 $0x7, v3;
	v4 =	vand.u32 $0xFFFFFFE0, v50  }
0x3b: {  	v3 =	vor.u32 v3, v4  }
0x3c: {  	v4 =	vperm.xlane v3, v0;
	_ =	sdelay $0x1  }
0x3d: {  	v4 =	vadd.s32 v1, v4;
	_ =	sdelay $0x1  }
0x3e: {  	v3 =	vperm.xlane v3, v2;
	_ =	sdelay $0x1  }
0x3f: {  	v3 =	vadd.s32 v1, v3  }
0x40: {  	[tilespmem:s30], [sflag:$0x2] =	stream.indirect_vreg.gather [hbm4b:s2+s3], $0x80, v4, vm0, $0xb8;
	[tilespmem:$0x1DD00] =	vst v63  }
0x41: {  	_ = 	snop  }
0x42: {  	[tilespmem:s31], [sflag:$0x2] =	stream.indirect_vreg.gather [hbm4b:s6+s3], $0x80, v4, vm0, $0xb8;
	[tilespmem:$0x1DD00] =	vst v63  }
0x43: {  	_ = 	snop  }
0x44: {  	[tilespmem:s1], [sflag:$0x2] =	stream.indirect_vreg.gather [hbm4b:s2+s3], $0x80, v3, vm0, $0xb8;
	[tilespmem:$0x1DD00] =	vst v63  }
0x45: {  	_ = 	snop  }
0x46: {  	[tilespmem:s0], [sflag:$0x2] =	stream.indirect_vreg.gather [hbm4b:s6+s3], $0x80, v3, vm0, $0xb8;
	[tilespmem:$0x1DD00] =	vst v63  }
0x47: {  	v3 =	vld [tilespmem:$0x1C30];
	_ =	sdelay $0x4  }
0x48: {  	v51 =	vshll.u32 v3, $0x2  }
0x49: {  	v3 =	vand.u32 $0x7, v3;
	v4 =	vand.u32 $0xFFFFFFE0, v51  }
0x4a: {  	v3 =	vor.u32 v3, v4  }
0x4b: {  	v4 =	vperm.xlane v3, v0;
	_ =	sdelay $0x1  }
0x4c: {  	v4 =	vadd.s32 v1, v4;
	_ =	sdelay $0x1  }
0x4d: {  	v3 =	vperm.xlane v3, v2;
	_ =	sdelay $0x1  }
0x4e: {  	v3 =	vadd.s32 v1, v3  }
0x4f: {  	[tilespmem:s18], [sflag:$0x2] =	stream.indirect_vreg.gather [hbm4b:s2+s3], $0x80, v4, vm0, $0xb8;
	[tilespmem:$0x1DD00] =	vst v63  }
0x50: {  	_ = 	snop  }
0x51: {  	[tilespmem:s4], [sflag:$0x2] =	stream.indirect_vreg.gather [hbm4b:s6+s3], $0x80, v4, vm0, $0xb8;
	[tilespmem:$0x1DD00] =	vst v63  }
0x52: {  	_ = 	snop  }
0x53: {  	[tilespmem:s5], [sflag:$0x2] =	stream.indirect_vreg.gather [hbm4b:s2+s3], $0x80, v3, vm0, $0xb8;
	[tilespmem:$0x1DD00] =	vst v63  }
0x54: {  	_ = 	snop  }
0x55: {  	[tilespmem:s8], [sflag:$0x2] =	stream.indirect_vreg.gather [hbm4b:s6+s3], $0x80, v3, vm0, $0xb8;
	[tilespmem:$0x1DD00] =	vst v63  }
0x56: {  	_ =	swait.ge [sflag:s12], $0x4000  }
0x57: {  	[sflag:s12] =	ssyncset.done $0x0  }
0x58: {  	s7 =	rddreg [dreg:$0x6];
	[sflag:s12] =	ssyncadd.s32 $0xFFFFC000  }
0x59: {  	[hbm4b:s7+s3] =	stream.linear.scatter [tilespmem:s19], [sflag:$0x3], $0x4000, $0x38;
	[tilespmem:$0x1DD00] =	vst v63  }
0x5a: {  	_ =	swait.ge [sflag:s17], $0x4000  }
0x5b: {  	[sflag:s17] =	ssyncset.done $0x0  }
0x5c: {  	[sflag:s17] =	ssyncadd.s32 $0xFFFFC000  }
0x5d: {  	v3 =	vld [tilespmem:$0x1C40];
	_ =	sdelay $0x4  }
0x5e: {  	v52 =	vshll.u32 v3, $0x2  }
0x5f: {  	v3 =	vand.u32 $0x7, v3;
	v4 =	vand.u32 $0xFFFFFFE0, v52  }
0x60: {  	v3 =	vor.u32 v3, v4  }
0x61: {  	v4 =	vperm.xlane v3, v0;
	_ =	sdelay $0x1  }
0x62: {  	v4 =	vadd.s32 v1, v4;
	_ =	sdelay $0x1  }
0x63: {  	v3 =	vperm.xlane v3, v2;
	_ =	sdelay $0x1  }
0x64: {  	v3 =	vadd.s32 v1, v3  }
0x65: {  	[tilespmem:s19], [sflag:$0x1] =	stream.indirect_vreg.gather [hbm4b:s2+s3], $0x80, v4, vm0, $0xb8;
	[tilespmem:$0x1DD00] =	vst v63  }
0x66: {  	_ = 	snop  }
0x67: {  	[tilespmem:s15], [sflag:$0x1] =	stream.indirect_vreg.gather [hbm4b:s6+s3], $0x80, v4, vm0, $0xb8;
	[tilespmem:$0x1DD00] =	vst v63  }
0x68: {  	_ = 	snop  }
0x69: {  	[tilespmem:s28], [sflag:$0x1] =	stream.indirect_vreg.gather [hbm4b:s2+s3], $0x80, v3, vm0, $0xb8;
	[tilespmem:$0x1DD00] =	vst v63  }
0x6a: {  	s7 =	simm.s32 $0x3500  }
0x6b: {  	[tilespmem:s7], [sflag:$0x1] =	stream.indirect_vreg.gather [hbm4b:s6+s3], $0x80, v3, vm0, $0xb8;
	[tilespmem:$0x1DD00] =	vst v63  }
0x6c: {  	v3 =	vld [tilespmem:$0x1C50];
	_ =	sdelay $0x4  }
0x6d: {  	v53 =	vshll.u32 v3, $0x2  }
0x6e: {  	v3 =	vand.u32 $0x7, v3;
	v4 =	vand.u32 $0xFFFFFFE0, v53  }
0x6f: {  	v3 =	vor.u32 v3, v4  }
0x70: {  	v4 =	vperm.xlane v3, v0;
	_ =	sdelay $0x1  }
0x71: {  	v4 =	vadd.s32 v1, v4;
	_ =	sdelay $0x1  }
0x72: {  	v3 =	vperm.xlane v3, v2;
	_ =	sdelay $0x1  }
0x73: {  	v3 =	vadd.s32 v1, v3  }
0x74: {  	[tilespmem:s29], [sflag:$0x1] =	stream.indirect_vreg.gather [hbm4b:s2+s3], $0x80, v4, vm0, $0xb8;
	[tilespmem:$0x1DD00] =	vst v63  }
0x75: {  	_ = 	snop  }
0x76: {  	[tilespmem:s14], [sflag:$0x1] =	stream.indirect_vreg.gather [hbm4b:s6+s3], $0x80, v4, vm0, $0xb8;
	[tilespmem:$0x1DD00] =	vst v63  }
0x77: {  	_ = 	snop  }
0x78: {  	[tilespmem:s20], [sflag:$0x1] =	stream.indirect_vreg.gather [hbm4b:s2+s3], $0x80, v3, vm0, $0xb8;
	[tilespmem:$0x1DD00] =	vst v63  }
0x79: {  	_ = 	snop  }
0x7a: {  	[tilespmem:s21], [sflag:$0x1] =	stream.indirect_vreg.gather [hbm4b:s6+s3], $0x80, v3, vm0, $0xb8;
	[tilespmem:$0x1DD00] =	vst v63  }
0x7b: {  	_ =	swait.ge [sflag:s13], $0x4000  }
0x7c: {  	[sflag:s13] =	ssyncset.done $0x0  }
0x7d: {  	s21 =	rddreg [dreg:$0x7];
	[sflag:s13] =	ssyncadd.s32 $0xFFFFC000  }
0x7e: {  	[hbm4b:s21+s3] =	stream.linear.scatter [tilespmem:s30], [sflag:$0x3], $0x4000, $0x38;
	[tilespmem:$0x1DD00] =	vst v63  }
0x7f: {  	_ =	swait.ge [sflag:s17], $0x4000  }
0x80: {  	[sflag:s17] =	ssyncset.done $0x0  }
0x81: {  	[sflag:s17] =	ssyncadd.s32 $0xFFFFC000  }
0x82: {  	v3 =	vld [tilespmem:$0x1C60];
	_ =	sdelay $0x4  }
0x83: {  	v54 =	vshll.u32 v3, $0x2  }
0x84: {  	v3 =	vand.u32 $0x7, v3;
	v4 =	vand.u32 $0xFFFFFFE0, v54  }
0x85: {  	v3 =	vor.u32 v3, v4  }
0x86: {  	v4 =	vperm.xlane v3, v0;
	_ =	sdelay $0x1  }
0x87: {  	v4 =	vadd.s32 v1, v4;
	_ =	sdelay $0x1  }
0x88: {  	v3 =	vperm.xlane v3, v2;
	_ =	sdelay $0x1  }
0x89: {  	v3 =	vadd.s32 v1, v3  }
0x8a: {  	[tilespmem:s30], [sflag:$0x2] =	stream.indirect_vreg.gather [hbm4b:s2+s3], $0x80, v4, vm0, $0xb8;
	[tilespmem:$0x1DD00] =	vst v63  }
0x8b: {  	_ = 	snop  }
0x8c: {  	[tilespmem:s31], [sflag:$0x2] =	stream.indirect_vreg.gather [hbm4b:s6+s3], $0x80, v4, vm0, $0xb8;
	[tilespmem:$0x1DD00] =	vst v63  }
0x8d: {  	_ = 	snop  }
0x8e: {  	[tilespmem:s1], [sflag:$0x2] =	stream.indirect_vreg.gather [hbm4b:s2+s3], $0x80, v3, vm0, $0xb8;
	[tilespmem:$0x1DD00] =	vst v63  }
0x8f: {  	_ = 	snop  }
0x90: {  	[tilespmem:s0], [sflag:$0x2] =	stream.indirect_vreg.gather [hbm4b:s6+s3], $0x80, v3, vm0, $0xb8;
	[tilespmem:$0x1DD00] =	vst v63  }
0x91: {  	v3 =	vld [tilespmem:$0x1C70];
	_ =	sdelay $0x4  }
0x92: {  	v55 =	vshll.u32 v3, $0x2  }
0x93: {  	v3 =	vand.u32 $0x7, v3;
	v4 =	vand.u32 $0xFFFFFFE0, v55  }
0x94: {  	v3 =	vor.u32 v3, v4  }
0x95: {  	v4 =	vperm.xlane v3, v0;
	_ =	sdelay $0x1  }
0x96: {  	v4 =	vadd.s32 v1, v4;
	_ =	sdelay $0x1  }
0x97: {  	v3 =	vperm.xlane v3, v2;
	_ =	sdelay $0x1  }
0x98: {  	v3 =	vadd.s32 v1, v3  }
0x99: {  	[tilespmem:s18], [sflag:$0x2] =	stream.indirect_vreg.gather [hbm4b:s2+s3], $0x80, v4, vm0, $0xb8;
	[tilespmem:$0x1DD00] =	vst v63  }
0x9a: {  	_ = 	snop  }
0x9b: {  	[tilespmem:s4], [sflag:$0x2] =	stream.indirect_vreg.gather [hbm4b:s6+s3], $0x80, v4, vm0, $0xb8;
	[tilespmem:$0x1DD00] =	vst v63  }
0x9c: {  	_ = 	snop  }
0x9d: {  	[tilespmem:s5], [sflag:$0x2] =	stream.indirect_vreg.gather [hbm4b:s2+s3], $0x80, v3, vm0, $0xb8;
	[tilespmem:$0x1DD00] =	vst v63  }
0x9e: {  	_ = 	snop  }
0x9f: {  	[tilespmem:s8], [sflag:$0x2] =	stream.indirect_vreg.gather [hbm4b:s6+s3], $0x80, v3, vm0, $0xb8;
	[tilespmem:$0x1DD00] =	vst v63  }
0xa0: {  	_ =	swait.ge [sflag:s12], $0x4000  }
0xa1: {  	[sflag:s12] =	ssyncset.done $0x0  }
0xa2: {  	s21 =	rddreg [dreg:$0x8];
	[sflag:s12] =	ssyncadd.s32 $0xFFFFC000  }
0xa3: {  	[hbm4b:s21+s3] =	stream.linear.scatter [tilespmem:s19], [sflag:$0x3], $0x4000, $0x38;
	[tilespmem:$0x1DD00] =	vst v63  }
0xa4: {  	_ =	swait.ge [sflag:s17], $0x4000  }
0xa5: {  	[sflag:s17] =	ssyncset.done $0x0  }
0xa6: {  	[sflag:s17] =	ssyncadd.s32 $0xFFFFC000  }
0xa7: {  	v3 =	vld [tilespmem:$0x1C80];
	_ =	sdelay $0x4  }
0xa8: {  	v56 =	vshll.u32 v3, $0x2  }
0xa9: {  	v3 =	vand.u32 $0x7, v3;
	v4 =	vand.u32 $0xFFFFFFE0, v56  }
0xaa: {  	v3 =	vor.u32 v3, v4  }
0xab: {  	v4 =	vperm.xlane v3, v0;
	_ =	sdelay $0x1  }
0xac: {  	v4 =	vadd.s32 v1, v4;
	_ =	sdelay $0x1  }
0xad: {  	v3 =	vperm.xlane v3, v2;
	_ =	sdelay $0x1  }
0xae: {  	v3 =	vadd.s32 v1, v3  }
0xaf: {  	[tilespmem:s19], [sflag:$0x1] =	stream.indirect_vreg.gather [hbm4b:s2+s3], $0x80, v4, vm0, $0xb8;
	[tilespmem:$0x1DD00] =	vst v63  }
0xb0: {  	_ = 	snop  }
0xb1: {  	[tilespmem:s15], [sflag:$0x1] =	stream.indirect_vreg.gather [hbm4b:s6+s3], $0x80, v4, vm0, $0xb8;
	[tilespmem:$0x1DD00] =	vst v63  }
0xb2: {  	_ = 	snop  }
0xb3: {  	[tilespmem:s28], [sflag:$0x1] =	stream.indirect_vreg.gather [hbm4b:s2+s3], $0x80, v3, vm0, $0xb8;
	[tilespmem:$0x1DD00] =	vst v63  }
0xb4: {  	s21 =	simm.s32 $0x3500  }
0xb5: {  	[tilespmem:s21], [sflag:$0x1] =	stream.indirect_vreg.gather [hbm4b:s6+s3], $0x80, v3, vm0, $0xb8;
	[tilespmem:$0x1DD00] =	vst v63  }
0xb6: {  	v3 =	vld [tilespmem:$0x1C90];
	_ =	sdelay $0x4  }
0xb7: {  	v57 =	vshll.u32 v3, $0x2  }
0xb8: {  	v3 =	vand.u32 $0x7, v3;
	v4 =	vand.u32 $0xFFFFFFE0, v57  }
0xb9: {  	v3 =	vor.u32 v3, v4  }
0xba: {  	v4 =	vperm.xlane v3, v0;
	_ =	sdelay $0x1  }
0xbb: {  	v4 =	vadd.s32 v1, v4;
	_ =	sdelay $0x1  }
0xbc: {  	v3 =	vperm.xlane v3, v2;
	_ =	sdelay $0x1  }
0xbd: {  	v3 =	vadd.s32 v1, v3  }
0xbe: {  	[tilespmem:s29], [sflag:$0x1] =	stream.indirect_vreg.gather [hbm4b:s2+s3], $0x80, v4, vm0, $0xb8;
	[tilespmem:$0x1DD00] =	vst v63  }
0xbf: {  	_ = 	snop  }
0xc0: {  	[tilespmem:s14], [sflag:$0x1] =	stream.indirect_vreg.gather [hbm4b:s6+s3], $0x80, v4, vm0, $0xb8;
	[tilespmem:$0x1DD00] =	vst v63  }
0xc1: {  	_ = 	snop  }
0xc2: {  	[tilespmem:s20], [sflag:$0x1] =	stream.indirect_vreg.gather [hbm4b:s2+s3], $0x80, v3, vm0, $0xb8;
	[tilespmem:$0x1DD00] =	vst v63  }
0xc3: {  	s14 =	simm.s32 $0x5500  }
0xc4: {  	[tilespmem:s14], [sflag:$0x1] =	stream.indirect_vreg.gather [hbm4b:s6+s3], $0x80, v3, vm0, $0xb8;
	[tilespmem:$0x1DD00] =	vst v63  }
0xc5: {  	_ =	swait.ge [sflag:s13], $0x4000  }
0xc6: {  	[sflag:s13] =	ssyncset.done $0x0  }
0xc7: {  	s7 =	rddreg [dreg:$0x9];
	[sflag:s13] =	ssyncadd.s32 $0xFFFFC000  }
0xc8: {  	[hbm4b:s7+s3] =	stream.linear.scatter [tilespmem:s30], [sflag:$0x3], $0x4000, $0x38;
	[tilespmem:$0x1DD00] =	vst v63  }
0xc9: {  	_ =	swait.ge [sflag:s17], $0x4000  }
0xca: {  	[sflag:s17] =	ssyncset.done $0x0  }
0xcb: {  	[sflag:s17] =	ssyncadd.s32 $0xFFFFC000  }
0xcc: {  	v3 =	vld [tilespmem:$0x1CA0];
	_ =	sdelay $0x4  }
0xcd: {  	v58 =	vshll.u32 v3, $0x2  }
0xce: {  	v3 =	vand.u32 $0x7, v3;
	v4 =	vand.u32 $0xFFFFFFE0, v58  }
0xcf: {  	v3 =	vor.u32 v3, v4  }
0xd0: {  	v4 =	vperm.xlane v3, v0;
	_ =	sdelay $0x1  }
0xd1: {  	v4 =	vadd.s32 v1, v4;
	_ =	sdelay $0x1  }
0xd2: {  	v3 =	vperm.xlane v3, v2;
	_ =	sdelay $0x1  }
0xd3: {  	v3 =	vadd.s32 v1, v3  }
0xd4: {  	[tilespmem:s30], [sflag:$0x2] =	stream.indirect_vreg.gather [hbm4b:s2+s3], $0x80, v4, vm0, $0xb8;
	[tilespmem:$0x1DD00] =	vst v63  }
0xd5: {  	_ = 	snop  }
0xd6: {  	[tilespmem:s31], [sflag:$0x2] =	stream.indirect_vreg.gather [hbm4b:s6+s3], $0x80, v4, vm0, $0xb8;
	[tilespmem:$0x1DD00] =	vst v63  }
0xd7: {  	_ = 	snop  }
0xd8: {  	[tilespmem:s1], [sflag:$0x2] =	stream.indirect_vreg.gather [hbm4b:s2+s3], $0x80, v3, vm0, $0xb8;
	[tilespmem:$0x1DD00] =	vst v63  }
0xd9: {  	_ = 	snop  }
0xda: {  	[tilespmem:s0], [sflag:$0x2] =	stream.indirect_vreg.gather [hbm4b:s6+s3], $0x80, v3, vm0, $0xb8;
	[tilespmem:$0x1DD00] =	vst v63  }
0xdb: {  	v3 =	vld [tilespmem:$0x1CB0];
	_ =	sdelay $0x4  }
0xdc: {  	v59 =	vshll.u32 v3, $0x2  }
0xdd: {  	v3 =	vand.u32 $0x7, v3;
	v4 =	vand.u32 $0xFFFFFFE0, v59  }
0xde: {  	v3 =	vor.u32 v3, v4  }
0xdf: {  	v4 =	vperm.xlane v3, v0;
	_ =	sdelay $0x1  }
0xe0: {  	v4 =	vadd.s32 v1, v4;
	_ =	sdelay $0x1  }
0xe1: {  	v3 =	vperm.xlane v3, v2;
	_ =	sdelay $0x1  }
0xe2: {  	v3 =	vadd.s32 v1, v3  }
0xe3: {  	[tilespmem:s18], [sflag:$0x2] =	stream.indirect_vreg.gather [hbm4b:s2+s3], $0x80, v4, vm0, $0xb8;
	[tilespmem:$0x1DD00] =	vst v63  }
0xe4: {  	_ = 	snop  }
0xe5: {  	[tilespmem:s4], [sflag:$0x2] =	stream.indirect_vreg.gather [hbm4b:s6+s3], $0x80, v4, vm0, $0xb8;
	[tilespmem:$0x1DD00] =	vst v63  }
0xe6: {  	_ = 	snop  }
0xe7: {  	[tilespmem:s5], [sflag:$0x2] =	stream.indirect_vreg.gather [hbm4b:s2+s3], $0x80, v3, vm0, $0xb8;
	[tilespmem:$0x1DD00] =	vst v63  }
0xe8: {  	_ = 	snop  }
0xe9: {  	[tilespmem:s8], [sflag:$0x2] =	stream.indirect_vreg.gather [hbm4b:s6+s3], $0x80, v3, vm0, $0xb8;
	[tilespmem:$0x1DD00] =	vst v63  }
0xea: {  	_ =	swait.ge [sflag:s12], $0x4000  }
0xeb: {  	[sflag:s12] =	ssyncset.done $0x0  }
0xec: {  	s7 =	rddreg [dreg:$0xa];
	[sflag:s12] =	ssyncadd.s32 $0xFFFFC000  }
0xed: {  	[hbm4b:s7+s3] =	stream.linear.scatter [tilespmem:s19], [sflag:$0x3], $0x4000, $0x38;
	[tilespmem:$0x1DD00] =	vst v63  }
0xee: {  	_ =	swait.ge [sflag:s17], $0x4000  }
0xef: {  	[sflag:s17] =	ssyncset.done $0x0  }
0xf0: {  	[sflag:s17] =	ssyncadd.s32 $0xFFFFC000  }
0xf1: {  	v3 =	vld [tilespmem:$0x1CC0];
	_ =	sdelay $0x4  }
0xf2: {  	v60 =	vshll.u32 v3, $0x2  }
0xf3: {  	v3 =	vand.u32 $0x7, v3;
	v4 =	vand.u32 $0xFFFFFFE0, v60  }
0xf4: {  	v3 =	vor.u32 v3, v4  }
0xf5: {  	v4 =	vperm.xlane v3, v0;
	_ =	sdelay $0x1  }
0xf6: {  	v4 =	vadd.s32 v1, v4;
	_ =	sdelay $0x1  }
0xf7: {  	v3 =	vperm.xlane v3, v2;
	_ =	sdelay $0x1  }
0xf8: {  	v3 =	vadd.s32 v1, v3  }
0xf9: {  	[tilespmem:s19], [sflag:$0x1] =	stream.indirect_vreg.gather [hbm4b:s2+s3], $0x80, v4, vm0, $0xb8;
	[tilespmem:$0x1DD00] =	vst v63  }
0xfa: {  	_ = 	snop  }
0xfb: {  	[tilespmem:s15], [sflag:$0x1] =	stream.indirect_vreg.gather [hbm4b:s6+s3], $0x80, v4, vm0, $0xb8;
	[tilespmem:$0x1DD00] =	vst v63  }
0xfc: {  	_ = 	snop  }
0xfd: {  	[tilespmem:s28], [sflag:$0x1] =	stream.indirect_vreg.gather [hbm4b:s2+s3], $0x80, v3, vm0, $0xb8;
	[tilespmem:$0x1DD00] =	vst v63  }
0xfe: {  	s21 =	simm.s32 $0x3500  }
0xff: {  	[tilespmem:s21], [sflag:$0x1] =	stream.indirect_vreg.gather [hbm4b:s6+s3], $0x80, v3, vm0, $0xb8;
	[tilespmem:$0x1DD00] =	vst v63  }
0x100: {  	v3 =	vld [tilespmem:$0x1CD0];
	_ =	sdelay $0x4  }
0x101: {  	v61 =	vshll.u32 v3, $0x2  }
0x102: {  	v3 =	vand.u32 $0x7, v3;
	v4 =	vand.u32 $0xFFFFFFE0, v61  }
0x103: {  	v3 =	vor.u32 v3, v4  }
0x104: {  	v4 =	vperm.xlane v3, v0;
	_ =	sdelay $0x1  }
0x105: {  	v4 =	vadd.s32 v1, v4;
	_ =	sdelay $0x1  }
0x106: {  	v3 =	vperm.xlane v3, v2;
	_ =	sdelay $0x1  }
0x107: {  	v3 =	vadd.s32 v1, v3  }
0x108: {  	[tilespmem:s29], [sflag:$0x1] =	stream.indirect_vreg.gather [hbm4b:s2+s3], $0x80, v4, vm0, $0xb8;
	[tilespmem:$0x1DD00] =	vst v63  }
0x109: {  	s21 =	simm.s32 $0x4500  }
0x10a: {  	[tilespmem:s21], [sflag:$0x1] =	stream.indirect_vreg.gather [hbm4b:s6+s3], $0x80, v4, vm0, $0xb8;
	[tilespmem:$0x1DD00] =	vst v63  }
0x10b: {  	_ = 	snop  }
0x10c: {  	[tilespmem:s20], [sflag:$0x1] =	stream.indirect_vreg.gather [hbm4b:s2+s3], $0x80, v3, vm0, $0xb8;
	[tilespmem:$0x1DD00] =	vst v63  }
0x10d: {  	_ = 	snop  }
0x10e: {  	[tilespmem:s14], [sflag:$0x1] =	stream.indirect_vreg.gather [hbm4b:s6+s3], $0x80, v3, vm0, $0xb8;
	[tilespmem:$0x1DD00] =	vst v63  }
0x10f: {  	_ =	swait.ge [sflag:s13], $0x4000  }
0x110: {  	[sflag:s13] =	ssyncset.done $0x0  }
0x111: {  	s29 =	rddreg [dreg:$0xb];
	[sflag:s13] =	ssyncadd.s32 $0xFFFFC000  }
0x112: {  	[hbm4b:s29+s3] =	stream.linear.scatter [tilespmem:s30], [sflag:$0x3], $0x4000, $0x38;
	[tilespmem:$0x1DD00] =	vst v63  }
0x113: {  	_ =	swait.ge [sflag:s17], $0x4000  }
0x114: {  	[sflag:s17] =	ssyncset.done $0x0  }
0x115: {  	[sflag:s17] =	ssyncadd.s32 $0xFFFFC000  }
0x116: {  	v3 =	vld [tilespmem:$0x1CE0];
	_ =	sdelay $0x4  }
0x117: {  	v62 =	vshll.u32 v3, $0x2  }
0x118: {  	v3 =	vand.u32 $0x7, v3;
	v4 =	vand.u32 $0xFFFFFFE0, v62  }
0x119: {  	v3 =	vor.u32 v3, v4  }
0x11a: {  	v4 =	vperm.xlane v3, v0;
	_ =	sdelay $0x1  }
0x11b: {  	v4 =	vadd.s32 v1, v4;
	_ =	sdelay $0x1  }
0x11c: {  	v3 =	vperm.xlane v3, v2;
	_ =	sdelay $0x1  }
0x11d: {  	v3 =	vadd.s32 v1, v3  }
0x11e: {  	[tilespmem:s30], [sflag:$0x2] =	stream.indirect_vreg.gather [hbm4b:s2+s3], $0x80, v4, vm0, $0xb8;
	[tilespmem:$0x1DD00] =	vst v63  }
0x11f: {  	_ = 	snop  }
0x120: {  	[tilespmem:s31], [sflag:$0x2] =	stream.indirect_vreg.gather [hbm4b:s6+s3], $0x80, v4, vm0, $0xb8;
	[tilespmem:$0x1DD00] =	vst v63  }
0x121: {  	_ = 	snop  }
0x122: {  	[tilespmem:s1], [sflag:$0x2] =	stream.indirect_vreg.gather [hbm4b:s2+s3], $0x80, v3, vm0, $0xb8;
	[tilespmem:$0x1DD00] =	vst v63  }
0x123: {  	_ = 	snop  }
0x124: {  	[tilespmem:s0], [sflag:$0x2] =	stream.indirect_vreg.gather [hbm4b:s6+s3], $0x80, v3, vm0, $0xb8;
	[tilespmem:$0x1DD00] =	vst v63  }
0x125: {  	v3 =	vld [tilespmem:$0x1CF0];
	_ =	sdelay $0x4  }
0x126: {  	v63 =	vshll.u32 v3, $0x2  }
0x127: {  	v3 =	vand.u32 $0x7, v3;
	v4 =	vand.u32 $0xFFFFFFE0, v63  }
0x128: {  	v3 =	vor.u32 v3, v4  }
0x129: {  	v4 =	vperm.xlane v3, v0;
	_ =	sdelay $0x1  }
0x12a: {  	v4 =	vadd.s32 v1, v4;
	_ =	sdelay $0x1  }
0x12b: {  	v3 =	vperm.xlane v3, v2;
	_ =	sdelay $0x1  }
0x12c: {  	v3 =	vadd.s32 v1, v3  }
0x12d: {  	[tilespmem:s18], [sflag:$0x2] =	stream.indirect_vreg.gather [hbm4b:s2+s3], $0x80, v4, vm0, $0xb8;
	[tilespmem:$0x1DD00] =	vst v63  }
0x12e: {  	_ = 	snop  }
0x12f: {  	[tilespmem:s4], [sflag:$0x2] =	stream.indirect_vreg.gather [hbm4b:s6+s3], $0x80, v4, vm0, $0xb8;
	[tilespmem:$0x1DD00] =	vst v63  }
0x130: {  	_ = 	snop  }
0x131: {  	[tilespmem:s5], [sflag:$0x2] =	stream.indirect_vreg.gather [hbm4b:s2+s3], $0x80, v3, vm0, $0xb8;
	[tilespmem:$0x1DD00] =	vst v63  }
0x132: {  	_ = 	snop  }
0x133: {  	[tilespmem:s8], [sflag:$0x2] =	stream.indirect_vreg.gather [hbm4b:s6+s3], $0x80, v3, vm0, $0xb8;
	[tilespmem:$0x1DD00] =	vst v63  }
0x134: {  	_ =	swait.ge [sflag:s12], $0x4000  }
0x135: {  	[sflag:s12] =	ssyncset.done $0x0  }
0x136: {  	s14 =	rddreg [dreg:$0xc];
	[sflag:s12] =	ssyncadd.s32 $0xFFFFC000  }
0x137: {  	[hbm4b:s14+s3] =	stream.linear.scatter [tilespmem:s19], [sflag:$0x3], $0x4000, $0x38;
	[tilespmem:$0x1DD00] =	vst v63  }
0x138: {  	_ =	swait.ge [sflag:s17], $0x4000  }
0x139: {  	[sflag:s17] =	ssyncset.done $0x0  }
0x13a: {  	[sflag:s17] =	ssyncadd.s32 $0xFFFFC000  }
0x13b: {  	_ =	swait.ge [sflag:s13], $0x4000  }
0x13c: {  	[sflag:s13] =	ssyncset.done $0x0  }
0x13d: {  	s20 =	rddreg [dreg:$0xd];
	[sflag:s13] =	ssyncadd.s32 $0xFFFFC000  }
0x13e: {  	[hbm4b:s20+s3] =	stream.linear.scatter [tilespmem:s30], [sflag:$0x3], $0x4000, $0x38;
	[tilespmem:$0x1DD00] =	vst v63  }
0x13f: {  	_ =	swait.ge [sflag:s17], $0x4000  }
0x140: {  	s21 =	rddreg [dreg:$0xf]  }
0x141: {  	s29 =	rddreg [dreg:$0xe];
	s14 =	sadd.s32 $0x1, s21  }
0x142: {  	p0 =	sne.s32 s14, s29  }
.Ltmp1:
0x143: {  	_ = 	snop;
	(pc) =	sbr.rel @!p0 .LBB2_7-.Ltmp1, $3  }
0x144: {  	_ =	sdelay $0x1  }
0x145: {  	[sflag:s17] =	ssyncset.done $0x0  }
0x146: {  	[sflag:s17] =	ssyncadd.s32 $0xFFFFC000  }
.LBB2_1:
0x147: {  	[dreg:$0xf] =	wrdreg s14  }
0x148: {  	s7 =	rddreg [dreg:$0x4]  }
0x149: {  	[tilespmem:s3], [sflag:$0x3] =	stream.linear.gather [hbm4b:s7+s3], $0x1C00, $0x38;
	[tilespmem:$0x1DD00] =	vst v63  }
0x14a: {  	_ =	swait.ge [sflag:s17], $0x1C00  }
0x14b: {  	[sflag:s17] =	ssyncset.done $0x0  }
0x14c: {  	s14 =	simm.s32 $0x1C00;
	s7 =	rddreg [dreg:$0x5];
	[sflag:s17] =	ssyncadd.s32 $0xFFFFE400  }
0x14d: {  	[tilespmem:s14], [sflag:$0x3] =	stream.linear.gather [hbm4b:s7+s3], $0x100, $0x38;
	[tilespmem:$0x1DD00] =	vst v63  }
0x14e: {  	_ =	swait.ge [sflag:s17], $0x100  }
0x14f: {  	[sflag:s17] =	ssyncset.done $0x0  }
0x150: {  	[sflag:s17] =	ssyncadd.s32 $0xFFFFFF00  }
0x151: {  	v3 =	vld [tilespmem:$0x0];
	_ =	sdelay $0x4  }
0x152: {  	v4 =	vshll.u32 v3, $0x2  }
0x153: {  	v3 =	vand.u32 $0x7, v3;
	v4 =	vand.u32 $0xFFFFFFE0, v4  }
0x154: {  	v3 =	vor.u32 v3, v4  }
0x155: {  	v4 =	vperm.xlane v3, v0;
	_ =	sdelay $0x1  }
0x156: {  	v4 =	vadd.s32 v1, v4;
	_ =	sdelay $0x1  }
0x157: {  	v3 =	vperm.xlane v3, v2;
	_ =	sdelay $0x1  }
0x158: {  	v3 =	vadd.s32 v1, v3  }
0x159: {  	[tilespmem:s19], [sflag:$0x1] =	stream.indirect_vreg.gather [hbm4b:s2+s3], $0x80, v4, vm0, $0xb8;
	[tilespmem:$0x1DD00] =	vst v63  }
0x15a: {  	_ = 	snop  }
0x15b: {  	[tilespmem:s15], [sflag:$0x1] =	stream.indirect_vreg.gather [hbm4b:s6+s3], $0x80, v4, vm0, $0xb8;
	[tilespmem:$0x1DD00] =	vst v63  }
0x15c: {  	_ = 	snop  }
0x15d: {  	[tilespmem:s28], [sflag:$0x1] =	stream.indirect_vreg.gather [hbm4b:s2+s3], $0x80, v3, vm0, $0xb8;
	[tilespmem:$0x1DD00] =	vst v63  }
0x15e: {  	s29 =	simm.s32 $0x3500  }
0x15f: {  	[tilespmem:s29], [sflag:$0x1] =	stream.indirect_vreg.gather [hbm4b:s6+s3], $0x80, v3, vm0, $0xb8;
	[tilespmem:$0x1DD00] =	vst v63  }
0x160: {  	v3 =	vld [tilespmem:$0x10];
	_ =	sdelay $0x4  }
0x161: {  	v49 =	vshll.u32 v3, $0x2  }
0x162: {  	v3 =	vand.u32 $0x7, v3;
	v4 =	vand.u32 $0xFFFFFFE0, v49  }
0x163: {  	v3 =	vor.u32 v3, v4  }
0x164: {  	v4 =	vperm.xlane v3, v0;
	_ =	sdelay $0x1  }
0x165: {  	v4 =	vadd.s32 v1, v4;
	_ =	sdelay $0x1  }
0x166: {  	v3 =	vperm.xlane v3, v2;
	_ =	sdelay $0x1  }
0x167: {  	s29 =	simm.s32 $0x3D00;
	v3 =	vadd.s32 v1, v3  }
0x168: {  	[tilespmem:s29], [sflag:$0x1] =	stream.indirect_vreg.gather [hbm4b:s2+s3], $0x80, v4, vm0, $0xb8;
	[tilespmem:$0x1DD00] =	vst v63  }
0x169: {  	s20 =	simm.s32 $0x4500  }
0x16a: {  	[tilespmem:s20], [sflag:$0x1] =	stream.indirect_vreg.gather [hbm4b:s6+s3], $0x80, v4, vm0, $0xb8;
	[tilespmem:$0x1DD00] =	vst v63  }
0x16b: {  	s20 =	simm.s32 $0x4D00  }
0x16c: {  	[tilespmem:s20], [sflag:$0x1] =	stream.indirect_vreg.gather [hbm4b:s2+s3], $0x80, v3, vm0, $0xb8;
	[tilespmem:$0x1DD00] =	vst v63  }
0x16d: {  	s21 =	simm.s32 $0x5500  }
0x16e: {  	[tilespmem:s21], [sflag:$0x1] =	stream.indirect_vreg.gather [hbm4b:s6+s3], $0x80, v3, vm0, $0xb8;
	[tilespmem:$0x1DD00] =	vst v63  }
0x16f: {  	v3 =	vld [tilespmem:$0x20];
	_ =	sdelay $0x4  }
0x170: {  	v50 =	vshll.u32 v3, $0x2  }
0x171: {  	v3 =	vand.u32 $0x7, v3;
	v4 =	vand.u32 $0xFFFFFFE0, v50  }
0x172: {  	v3 =	vor.u32 v3, v4  }
0x173: {  	v4 =	vperm.xlane v3, v0;
	_ =	sdelay $0x1  }
0x174: {  	v4 =	vadd.s32 v1, v4;
	_ =	sdelay $0x1  }
0x175: {  	v3 =	vperm.xlane v3, v2;
	_ =	sdelay $0x1  }
0x176: {  	s15 =	simm.s32 $0x5D00;
	v3 =	vadd.s32 v1, v3  }
0x177: {  	[tilespmem:s15], [sflag:$0x1] =	stream.indirect_vreg.gather [hbm4b:s2+s3], $0x80, v4, vm0, $0xb8;
	[tilespmem:$0x1DD00] =	vst v63  }
0x178: {  	s21 =	simm.s32 $0x6500  }
0x179: {  	[tilespmem:s21], [sflag:$0x1] =	stream.indirect_vreg.gather [hbm4b:s6+s3], $0x80, v4, vm0, $0xb8;
	[tilespmem:$0x1DD00] =	vst v63  }
0x17a: {  	s14 =	simm.s32 $0x6D00  }
0x17b: {  	[tilespmem:s14], [sflag:$0x1] =	stream.indirect_vreg.gather [hbm4b:s2+s3], $0x80, v3, vm0, $0xb8;
	[tilespmem:$0x1DD00] =	vst v63  }
0x17c: {  	s15 =	simm.s32 $0x7500  }
0x17d: {  	[tilespmem:s15], [sflag:$0x1] =	stream.indirect_vreg.gather [hbm4b:s6+s3], $0x80, v3, vm0, $0xb8;
	[tilespmem:$0x1DD00] =	vst v63  }
0x17e: {  	v3 =	vld.msk [tilespmem:$0x30], $0x3;
	_ =	sdelay $0x4  }
0x17f: {  	v51 =	vshll.u32 v3, $0x2  }
0x180: {  	v3 =	vand.u32 $0x7, v3;
	v4 =	vand.u32 $0xFFFFFFE0, v51  }
0x181: {  	v3 =	vor.u32 v3, v4  }
0x182: {  	v3 =	vperm.xlane v3, v0;
	_ =	sdelay $0x1  }
0x183: {  	v3 =	vadd.s32 v1, v3;
	_ =	sdelay $0x3  }
0x184: {  	s21 =	simm.s32 $0x7D00  }
0x185: {  	[tilespmem:s21], [sflag:$0x1] =	stream.indirect_vreg.gather [hbm4b:s2+s3], $0x80, v3, vm1, $0xb8;
	[tilespmem:$0x1DD00] =	vst v63  }
0x186: {  	s14 =	simm.s32 $0x8500  }
0x187: {  	[tilespmem:s14], [sflag:$0x1] =	stream.indirect_vreg.gather [hbm4b:s6+s3], $0x80, v3, vm1, $0xb8;
	[tilespmem:$0x1DD00] =	vst v63  }
0x188: {  	v3 =	vld [tilespmem:$0x38];
	_ =	sdelay $0x4  }
0x189: {  	v52 =	vshll.u32 v3, $0x2  }
0x18a: {  	v3 =	vand.u32 $0x7, v3;
	v4 =	vand.u32 $0xFFFFFFE0, v52  }
0x18b: {  	v3 =	vor.u32 v3, v4  }
0x18c: {  	v4 =	vperm.xlane v3, v0;
	_ =	sdelay $0x1  }
0x18d: {  	v4 =	vadd.s32 v1, v4;
	_ =	sdelay $0x1  }
0x18e: {  	v3 =	vperm.xlane v3, v2;
	_ =	sdelay $0x1  }
0x18f: {  	s15 =	simm.s32 $0x8D00;
	v3 =	vadd.s32 v1, v3  }
0x190: {  	[tilespmem:s15], [sflag:$0x1] =	stream.indirect_vreg.gather [hbm4b:s2+s3], $0x80, v4, vm0, $0xb8;
	[tilespmem:$0x1DD00] =	vst v63  }
0x191: {  	s21 =	simm.s32 $0x9500  }
0x192: {  	[tilespmem:s21], [sflag:$0x1] =	stream.indirect_vreg.gather [hbm4b:s6+s3], $0x80, v4, vm0, $0xb8;
	[tilespmem:$0x1DD00] =	vst v63  }
0x193: {  	s14 =	simm.s32 $0x9D00  }
0x194: {  	[tilespmem:s14], [sflag:$0x1] =	stream.indirect_vreg.gather [hbm4b:s2+s3], $0x80, v3, vm0, $0xb8;
	[tilespmem:$0x1DD00] =	vst v63  }
0x195: {  	s15 =	simm.s32 $0xA500  }
0x196: {  	[tilespmem:s15], [sflag:$0x1] =	stream.indirect_vreg.gather [hbm4b:s6+s3], $0x80, v3, vm0, $0xb8;
	[tilespmem:$0x1DD00] =	vst v63  }
0x197: {  	v3 =	vld [tilespmem:$0x48];
	_ =	sdelay $0x4  }
0x198: {  	v53 =	vshll.u32 v3, $0x2  }
0x199: {  	v3 =	vand.u32 $0x7, v3;
	v4 =	vand.u32 $0xFFFFFFE0, v53  }
0x19a: {  	v3 =	vor.u32 v3, v4  }
0x19b: {  	v4 =	vperm.xlane v3, v0;
	_ =	sdelay $0x1  }
0x19c: {  	v4 =	vadd.s32 v1, v4;
	_ =	sdelay $0x1  }
0x19d: {  	v3 =	vperm.xlane v3, v2;
	_ =	sdelay $0x1  }
0x19e: {  	s21 =	simm.s32 $0xAD00;
	v3 =	vadd.s32 v1, v3  }
0x19f: {  	[tilespmem:s21], [sflag:$0x1] =	stream.indirect_vreg.gather [hbm4b:s2+s3], $0x80, v4, vm0, $0xb8;
	[tilespmem:$0x1DD00] =	vst v63  }
0x1a0: {  	s14 =	simm.s32 $0xB500  }
0x1a1: {  	[tilespmem:s14], [sflag:$0x1] =	stream.indirect_vreg.gather [hbm4b:s6+s3], $0x80, v4, vm0, $0xb8;
	[tilespmem:$0x1DD00] =	vst v63  }
0x1a2: {  	s15 =	simm.s32 $0xBD00  }
0x1a3: {  	[tilespmem:s15], [sflag:$0x1] =	stream.indirect_vreg.gather [hbm4b:s2+s3], $0x80, v3, vm0, $0xb8;
	[tilespmem:$0x1DD00] =	vst v63  }
0x1a4: {  	s21 =	simm.s32 $0xC500  }
0x1a5: {  	[tilespmem:s21], [sflag:$0x1] =	stream.indirect_vreg.gather [hbm4b:s6+s3], $0x80, v3, vm0, $0xb8;
	[tilespmem:$0x1DD00] =	vst v63  }
0x1a6: {  	v3 =	vld [tilespmem:$0x58];
	_ =	sdelay $0x4  }
0x1a7: {  	v54 =	vshll.u32 v3, $0x2  }
0x1a8: {  	v3 =	vand.u32 $0x7, v3;
	v4 =	vand.u32 $0xFFFFFFE0, v54  }
0x1a9: {  	v3 =	vor.u32 v3, v4  }
0x1aa: {  	v4 =	vperm.xlane v3, v0;
	_ =	sdelay $0x1  }
0x1ab: {  	v4 =	vadd.s32 v1, v4;
	_ =	sdelay $0x1  }
0x1ac: {  	v3 =	vperm.xlane v3, v2;
	_ =	sdelay $0x1  }
0x1ad: {  	s14 =	simm.s32 $0xCD00;
	v3 =	vadd.s32 v1, v3  }
0x1ae: {  	[tilespmem:s14], [sflag:$0x1] =	stream.indirect_vreg.gather [hbm4b:s2+s3], $0x80, v4, vm0, $0xb8;
	[tilespmem:$0x1DD00] =	vst v63  }
0x1af: {  	s15 =	simm.s32 $0xD500  }
0x1b0: {  	[tilespmem:s15], [sflag:$0x1] =	stream.indirect_vreg.gather [hbm4b:s6+s3], $0x80, v4, vm0, $0xb8;
	[tilespmem:$0x1DD00] =	vst v63  }
0x1b1: {  	s21 =	simm.s32 $0xDD00  }
0x1b2: {  	[tilespmem:s21], [sflag:$0x1] =	stream.indirect_vreg.gather [hbm4b:s2+s3], $0x80, v3, vm0, $0xb8;
	[tilespmem:$0x1DD00] =	vst v63  }
0x1b3: {  	s14 =	simm.s32 $0xE500  }
0x1b4: {  	[tilespmem:s14], [sflag:$0x1] =	stream.indirect_vreg.gather [hbm4b:s6+s3], $0x80, v3, vm0, $0xb8;
	[tilespmem:$0x1DD00] =	vst v63  }
0x1b5: {  	v3 =	vld.msk [tilespmem:$0x68], $0x3;
	_ =	sdelay $0x4  }
0x1b6: {  	v55 =	vshll.u32 v3, $0x2  }
0x1b7: {  	v3 =	vand.u32 $0x7, v3;
	v4 =	vand.u32 $0xFFFFFFE0, v55  }
0x1b8: {  	v3 =	vor.u32 v3, v4  }
0x1b9: {  	v3 =	vperm.xlane v3, v0;
	_ =	sdelay $0x1  }
0x1ba: {  	v3 =	vadd.s32 v1, v3;
	_ =	sdelay $0x3  }
0x1bb: {  	s15 =	simm.s32 $0xED00  }
0x1bc: {  	[tilespmem:s15], [sflag:$0x1] =	stream.indirect_vreg.gather [hbm4b:s2+s3], $0x80, v3, vm1, $0xb8;
	[tilespmem:$0x1DD00] =	vst v63  }
0x1bd: {  	s21 =	simm.s32 $0xF500  }
0x1be: {  	[tilespmem:s21], [sflag:$0x1] =	stream.indirect_vreg.gather [hbm4b:s6+s3], $0x80, v3, vm1, $0xb8;
	[tilespmem:$0x1DD00] =	vst v63  }
0x1bf: {  	v3 =	vld [tilespmem:$0x70];
	_ =	sdelay $0x4  }
0x1c0: {  	v56 =	vshll.u32 v3, $0x2  }
0x1c1: {  	v3 =	vand.u32 $0x7, v3;
	v4 =	vand.u32 $0xFFFFFFE0, v56  }
0x1c2: {  	v3 =	vor.u32 v3, v4  }
0x1c3: {  	v4 =	vperm.xlane v3, v0;
	_ =	sdelay $0x1  }
0x1c4: {  	v4 =	vadd.s32 v1, v4;
	_ =	sdelay $0x1  }
0x1c5: {  	v3 =	vperm.xlane v3, v2;
	_ =	sdelay $0x1  }
0x1c6: {  	v3 =	vadd.s32 v1, v3  }
0x1c7: {  	[tilespmem:s30], [sflag:$0x2] =	stream.indirect_vreg.gather [hbm4b:s2+s3], $0x80, v4, vm0, $0xb8;
	[tilespmem:$0x1DD00] =	vst v63  }
0x1c8: {  	_ = 	snop  }
0x1c9: {  	[tilespmem:s31], [sflag:$0x2] =	stream.indirect_vreg.gather [hbm4b:s6+s3], $0x80, v4, vm0, $0xb8;
	[tilespmem:$0x1DD00] =	vst v63  }
0x1ca: {  	_ = 	snop  }
0x1cb: {  	[tilespmem:s1], [sflag:$0x2] =	stream.indirect_vreg.gather [hbm4b:s2+s3], $0x80, v3, vm0, $0xb8;
	[tilespmem:$0x1DD00] =	vst v63  }
0x1cc: {  	_ = 	snop  }
0x1cd: {  	[tilespmem:s0], [sflag:$0x2] =	stream.indirect_vreg.gather [hbm4b:s6+s3], $0x80, v3, vm0, $0xb8;
	[tilespmem:$0x1DD00] =	vst v63  }
0x1ce: {  	v3 =	vld [tilespmem:$0x80];
	_ =	sdelay $0x4  }
0x1cf: {  	v57 =	vshll.u32 v3, $0x2  }
0x1d0: {  	v3 =	vand.u32 $0x7, v3;
	v4 =	vand.u32 $0xFFFFFFE0, v57  }
0x1d1: {  	v3 =	vor.u32 v3, v4  }
0x1d2: {  	v4 =	vperm.xlane v3, v0;
	_ =	sdelay $0x1  }
0x1d3: {  	v4 =	vadd.s32 v1, v4;
	_ =	sdelay $0x1  }
0x1d4: {  	v3 =	vperm.xlane v3, v2;
	_ =	sdelay $0x1  }
0x1d5: {  	v3 =	vadd.s32 v1, v3  }
0x1d6: {  	[tilespmem:s18], [sflag:$0x2] =	stream.indirect_vreg.gather [hbm4b:s2+s3], $0x80, v4, vm0, $0xb8;
	[tilespmem:$0x1DD00] =	vst v63  }
0x1d7: {  	_ = 	snop  }
0x1d8: {  	[tilespmem:s4], [sflag:$0x2] =	stream.indirect_vreg.gather [hbm4b:s6+s3], $0x80, v4, vm0, $0xb8;
	[tilespmem:$0x1DD00] =	vst v63  }
0x1d9: {  	_ = 	snop  }
0x1da: {  	[tilespmem:s5], [sflag:$0x2] =	stream.indirect_vreg.gather [hbm4b:s2+s3], $0x80, v3, vm0, $0xb8;
	[tilespmem:$0x1DD00] =	vst v63  }
0x1db: {  	_ = 	snop  }
0x1dc: {  	[tilespmem:s8], [sflag:$0x2] =	stream.indirect_vreg.gather [hbm4b:s6+s3], $0x80, v3, vm0, $0xb8;
	[tilespmem:$0x1DD00] =	vst v63  }
0x1dd: {  	v3 =	vld [tilespmem:$0x90];
	_ =	sdelay $0x4  }
0x1de: {  	v58 =	vshll.u32 v3, $0x2  }
0x1df: {  	v3 =	vand.u32 $0x7, v3;
	v4 =	vand.u32 $0xFFFFFFE0, v58  }
0x1e0: {  	v3 =	vor.u32 v3, v4  }
0x1e1: {  	v4 =	vperm.xlane v3, v0;
	_ =	sdelay $0x1  }
0x1e2: {  	v4 =	vadd.s32 v1, v4;
	_ =	sdelay $0x1  }
0x1e3: {  	v3 =	vperm.xlane v3, v2;
	_ =	sdelay $0x1  }
0x1e4: {  	s14 =	simm.s32 $0x13D00;
	v3 =	vadd.s32 v1, v3  }
0x1e5: {  	[tilespmem:s14], [sflag:$0x2] =	stream.indirect_vreg.gather [hbm4b:s2+s3], $0x80, v4, vm0, $0xb8;
	[tilespmem:$0x1DD00] =	vst v63  }
0x1e6: {  	s15 =	simm.s32 $0x14500  }
0x1e7: {  	[tilespmem:s15], [sflag:$0x2] =	stream.indirect_vreg.gather [hbm4b:s6+s3], $0x80, v4, vm0, $0xb8;
	[tilespmem:$0x1DD00] =	vst v63  }
0x1e8: {  	s21 =	simm.s32 $0x14D00  }
0x1e9: {  	[tilespmem:s21], [sflag:$0x2] =	stream.indirect_vreg.gather [hbm4b:s2+s3], $0x80, v3, vm0, $0xb8;
	[tilespmem:$0x1DD00] =	vst v63  }
0x1ea: {  	s14 =	simm.s32 $0x15500  }
0x1eb: {  	[tilespmem:s14], [sflag:$0x2] =	stream.indirect_vreg.gather [hbm4b:s6+s3], $0x80, v3, vm0, $0xb8;
	[tilespmem:$0x1DD00] =	vst v63  }
0x1ec: {  	v3 =	vld.msk [tilespmem:$0xA0], $0x3;
	_ =	sdelay $0x4  }
0x1ed: {  	v59 =	vshll.u32 v3, $0x2  }
0x1ee: {  	v3 =	vand.u32 $0x7, v3;
	v4 =	vand.u32 $0xFFFFFFE0, v59  }
0x1ef: {  	v3 =	vor.u32 v3, v4  }
0x1f0: {  	v3 =	vperm.xlane v3, v0;
	_ =	sdelay $0x1  }
0x1f1: {  	v3 =	vadd.s32 v1, v3;
	_ =	sdelay $0x3  }
0x1f2: {  	s15 =	simm.s32 $0x15D00  }
0x1f3: {  	[tilespmem:s15], [sflag:$0x2] =	stream.indirect_vreg.gather [hbm4b:s2+s3], $0x80, v3, vm1, $0xb8;
	[tilespmem:$0x1DD00] =	vst v63  }
0x1f4: {  	s21 =	simm.s32 $0x16500  }
0x1f5: {  	[tilespmem:s21], [sflag:$0x2] =	stream.indirect_vreg.gather [hbm4b:s6+s3], $0x80, v3, vm1, $0xb8;
	[tilespmem:$0x1DD00] =	vst v63  }
0x1f6: {  	v3 =	vld [tilespmem:$0xA8];
	_ =	sdelay $0x4  }
0x1f7: {  	v60 =	vshll.u32 v3, $0x2  }
0x1f8: {  	v3 =	vand.u32 $0x7, v3;
	v4 =	vand.u32 $0xFFFFFFE0, v60  }
0x1f9: {  	v3 =	vor.u32 v3, v4  }
0x1fa: {  	v4 =	vperm.xlane v3, v0;
	_ =	sdelay $0x1  }
0x1fb: {  	v4 =	vadd.s32 v1, v4;
	_ =	sdelay $0x1  }
0x1fc: {  	v3 =	vperm.xlane v3, v2;
	_ =	sdelay $0x1  }
0x1fd: {  	s14 =	simm.s32 $0x16D00;
	v3 =	vadd.s32 v1, v3  }
0x1fe: {  	[tilespmem:s14], [sflag:$0x2] =	stream.indirect_vreg.gather [hbm4b:s2+s3], $0x80, v4, vm0, $0xb8;
	[tilespmem:$0x1DD00] =	vst v63  }
0x1ff: {  	s15 =	simm.s32 $0x17500  }
0x200: {  	[tilespmem:s15], [sflag:$0x2] =	stream.indirect_vreg.gather [hbm4b:s6+s3], $0x80, v4, vm0, $0xb8;
	[tilespmem:$0x1DD00] =	vst v63  }
0x201: {  	s21 =	simm.s32 $0x17D00  }
0x202: {  	[tilespmem:s21], [sflag:$0x2] =	stream.indirect_vreg.gather [hbm4b:s2+s3], $0x80, v3, vm0, $0xb8;
	[tilespmem:$0x1DD00] =	vst v63  }
0x203: {  	s14 =	simm.s32 $0x18500  }
0x204: {  	[tilespmem:s14], [sflag:$0x2] =	stream.indirect_vreg.gather [hbm4b:s6+s3], $0x80, v3, vm0, $0xb8;
	[tilespmem:$0x1DD00] =	vst v63  }
0x205: {  	v3 =	vld [tilespmem:$0xB8];
	_ =	sdelay $0x4  }
0x206: {  	v61 =	vshll.u32 v3, $0x2  }
0x207: {  	v3 =	vand.u32 $0x7, v3;
	v4 =	vand.u32 $0xFFFFFFE0, v61  }
0x208: {  	v3 =	vor.u32 v3, v4  }
0x209: {  	v4 =	vperm.xlane v3, v0;
	_ =	sdelay $0x1  }
0x20a: {  	v4 =	vadd.s32 v1, v4;
	_ =	sdelay $0x1  }
0x20b: {  	v3 =	vperm.xlane v3, v2;
	_ =	sdelay $0x1  }
0x20c: {  	s15 =	simm.s32 $0x18D00;
	v3 =	vadd.s32 v1, v3  }
0x20d: {  	[tilespmem:s15], [sflag:$0x2] =	stream.indirect_vreg.gather [hbm4b:s2+s3], $0x80, v4, vm0, $0xb8;
	[tilespmem:$0x1DD00] =	vst v63  }
0x20e: {  	s21 =	simm.s32 $0x19500  }
0x20f: {  	[tilespmem:s21], [sflag:$0x2] =	stream.indirect_vreg.gather [hbm4b:s6+s3], $0x80, v4, vm0, $0xb8;
	[tilespmem:$0x1DD00] =	vst v63  }
0x210: {  	_ = 	snop  }
0x211: {  	[tilespmem:s22], [sflag:$0x2] =	stream.indirect_vreg.gather [hbm4b:s2+s3], $0x80, v3, vm0, $0xb8;
	[tilespmem:$0x1DD00] =	vst v63  }
0x212: {  	_ = 	snop  }
0x213: {  	[tilespmem:s23], [sflag:$0x2] =	stream.indirect_vreg.gather [hbm4b:s6+s3], $0x80, v3, vm0, $0xb8;
	[tilespmem:$0x1DD00] =	vst v63  }
0x214: {  	v3 =	vld [tilespmem:$0xC8];
	_ =	sdelay $0x4  }
0x215: {  	v62 =	vshll.u32 v3, $0x2  }
0x216: {  	v3 =	vand.u32 $0x7, v3;
	v4 =	vand.u32 $0xFFFFFFE0, v62  }
0x217: {  	v3 =	vor.u32 v3, v4  }
0x218: {  	v4 =	vperm.xlane v3, v0;
	_ =	sdelay $0x1  }
0x219: {  	v4 =	vadd.s32 v1, v4;
	_ =	sdelay $0x1  }
0x21a: {  	v3 =	vperm.xlane v3, v2;
	_ =	sdelay $0x1  }
0x21b: {  	v3 =	vadd.s32 v1, v3  }
0x21c: {  	[tilespmem:s24], [sflag:$0x2] =	stream.indirect_vreg.gather [hbm4b:s2+s3], $0x80, v4, vm0, $0xb8;
	[tilespmem:$0x1DD00] =	vst v63  }
0x21d: {  	_ = 	snop  }
0x21e: {  	[tilespmem:s25], [sflag:$0x2] =	stream.indirect_vreg.gather [hbm4b:s6+s3], $0x80, v4, vm0, $0xb8;
	[tilespmem:$0x1DD00] =	vst v63  }
0x21f: {  	_ = 	snop  }
0x220: {  	[tilespmem:s26], [sflag:$0x2] =	stream.indirect_vreg.gather [hbm4b:s2+s3], $0x80, v3, vm0, $0xb8;
	[tilespmem:$0x1DD00] =	vst v63  }
0x221: {  	_ = 	snop  }
0x222: {  	[tilespmem:s9], [sflag:$0x2] =	stream.indirect_vreg.gather [hbm4b:s6+s3], $0x80, v3, vm0, $0xb8;
	[tilespmem:$0x1DD00] =	vst v63  }
0x223: {  	v3 =	vld.msk [tilespmem:$0xD8], $0x3;
	_ =	sdelay $0x4  }
0x224: {  	v63 =	vshll.u32 v3, $0x2  }
0x225: {  	v3 =	vand.u32 $0x7, v3;
	v4 =	vand.u32 $0xFFFFFFE0, v63  }
0x226: {  	v3 =	vor.u32 v3, v4  }
0x227: {  	v3 =	vperm.xlane v3, v0;
	_ =	sdelay $0x1  }
0x228: {  	v3 =	vadd.s32 v1, v3;
	_ =	sdelay $0x4  }
0x229: {  	[tilespmem:s10], [sflag:$0x2] =	stream.indirect_vreg.gather [hbm4b:s2+s3], $0x80, v3, vm1, $0xb8;
	[tilespmem:$0x1DD00] =	vst v63  }
0x22a: {  	s14 =	simm.s32 $0x1B8;
	s15 =	simm.s32 $0x0  }
0x22b: {  	[tilespmem:s11], [sflag:$0x2] =	stream.indirect_vreg.gather [hbm4b:s6+s3], $0x80, v3, vm1, $0xb8;
	[tilespmem:$0x1DD00] =	vst v63  }
.LBB2_2:
0x22c: {  	_ =	swait.ge [sflag:s12], $0x6400  }
0x22d: {  	[sflag:s12] =	ssyncset.done $0x0  }
0x22e: {  	[sflag:s12] =	ssyncadd.s32 $0xFFFF9C00  }
0x22f: {  	_ =	swait.ge [sflag:s12], $0x6400  }
0x230: {  	p0 =	seq.s32 s15, $0x6C800;
	[sflag:s12] =	ssyncset.done $0x0  }
.Ltmp2:
0x231: {  	s7 =	sadd.s32 s15, s16;
	[sflag:s12] =	ssyncadd.s32 $0xFFFF9C00;
	(pc) =	sbr.rel @p0 .LBB2_4-.Ltmp2, $4  }
0x232: {  	[hbm4b:s7+s3] =	stream.linear.scatter [tilespmem:s19], [sflag:$0x3], $0xE000, $0x38;
	[tilespmem:$0x1DD00] =	vst v63  }
0x233: {  	_ =	swait.ge [sflag:s17], $0xE000  }
0x234: {  	[sflag:s17] =	ssyncset.done $0x0  }
0x235: {  	[sflag:s17] =	ssyncadd.s32 $0xFFFF2000  }
0x236: {  	v3 =	vld [tilespmem:s14+$0xFFFFFF28];
	_ =	sdelay $0x4  }
0x237: {  	v4 =	vshll.u32 v3, $0x2  }
0x238: {  	v3 =	vand.u32 $0x7, v3;
	v4 =	vand.u32 $0xFFFFFFE0, v4  }
0x239: {  	v3 =	vor.u32 v3, v4  }
0x23a: {  	v4 =	vperm.xlane v3, v0;
	_ =	sdelay $0x1  }
0x23b: {  	v4 =	vadd.s32 v1, v4;
	_ =	sdelay $0x1  }
0x23c: {  	v3 =	vperm.xlane v3, v2;
	_ =	sdelay $0x1  }
0x23d: {  	v3 =	vadd.s32 v1, v3  }
0x23e: {  	[tilespmem:s19], [sflag:$0x1] =	stream.indirect_vreg.gather [hbm4b:s2+s3], $0x80, v4, vm0, $0xb8;
	[tilespmem:$0x1DD00] =	vst v63  }
0x23f: {  	s28 =	simm.s32 $0x2500  }
0x240: {  	[tilespmem:s28], [sflag:$0x1] =	stream.indirect_vreg.gather [hbm4b:s6+s3], $0x80, v4, vm0, $0xb8;
	[tilespmem:$0x1DD00] =	vst v63  }
0x241: {  	s28 =	simm.s32 $0x2D00  }
0x242: {  	[tilespmem:s28], [sflag:$0x1] =	stream.indirect_vreg.gather [hbm4b:s2+s3], $0x80, v3, vm0, $0xb8;
	[tilespmem:$0x1DD00] =	vst v63  }
0x243: {  	s29 =	simm.s32 $0x3500  }
0x244: {  	[tilespmem:s29], [sflag:$0x1] =	stream.indirect_vreg.gather [hbm4b:s6+s3], $0x80, v3, vm0, $0xb8;
	[tilespmem:$0x1DD00] =	vst v63  }
0x245: {  	v3 =	vld [tilespmem:s14+$0xFFFFFF38];
	_ =	sdelay $0x4  }
0x246: {  	v57 =	vshll.u32 v3, $0x2  }
0x247: {  	v3 =	vand.u32 $0x7, v3;
	v4 =	vand.u32 $0xFFFFFFE0, v57  }
0x248: {  	v3 =	vor.u32 v3, v4  }
0x249: {  	v4 =	vperm.xlane v3, v0;
	_ =	sdelay $0x1  }
0x24a: {  	v4 =	vadd.s32 v1, v4;
	_ =	sdelay $0x1  }
0x24b: {  	v3 =	vperm.xlane v3, v2;
	_ =	sdelay $0x1  }
0x24c: {  	s29 =	simm.s32 $0x3D00;
	v3 =	vadd.s32 v1, v3  }
0x24d: {  	[tilespmem:s29], [sflag:$0x1] =	stream.indirect_vreg.gather [hbm4b:s2+s3], $0x80, v4, vm0, $0xb8;
	[tilespmem:$0x1DD00] =	vst v63  }
0x24e: {  	s20 =	simm.s32 $0x4500  }
0x24f: {  	[tilespmem:s20], [sflag:$0x1] =	stream.indirect_vreg.gather [hbm4b:s6+s3], $0x80, v4, vm0, $0xb8;
	[tilespmem:$0x1DD00] =	vst v63  }
0x250: {  	s20 =	simm.s32 $0x4D00  }
0x251: {  	[tilespmem:s20], [sflag:$0x1] =	stream.indirect_vreg.gather [hbm4b:s2+s3], $0x80, v3, vm0, $0xb8;
	[tilespmem:$0x1DD00] =	vst v63  }
0x252: {  	s21 =	simm.s32 $0x5500  }
0x253: {  	[tilespmem:s21], [sflag:$0x1] =	stream.indirect_vreg.gather [hbm4b:s6+s3], $0x80, v3, vm0, $0xb8;
	[tilespmem:$0x1DD00] =	vst v63  }
0x254: {  	v3 =	vld [tilespmem:s14+$0xFFFFFF48];
	_ =	sdelay $0x4  }
0x255: {  	v58 =	vshll.u32 v3, $0x2  }
0x256: {  	v3 =	vand.u32 $0x7, v3;
	v4 =	vand.u32 $0xFFFFFFE0, v58  }
0x257: {  	v3 =	vor.u32 v3, v4  }
0x258: {  	v4 =	vperm.xlane v3, v0;
	_ =	sdelay $0x1  }
0x259: {  	v4 =	vadd.s32 v1, v4;
	_ =	sdelay $0x1  }
0x25a: {  	v3 =	vperm.xlane v3, v2;
	_ =	sdelay $0x1  }
0x25b: {  	s21 =	simm.s32 $0x5D00;
	v3 =	vadd.s32 v1, v3  }
0x25c: {  	[tilespmem:s21], [sflag:$0x1] =	stream.indirect_vreg.gather [hbm4b:s2+s3], $0x80, v4, vm0, $0xb8;
	[tilespmem:$0x1DD00] =	vst v63  }
0x25d: {  	s21 =	simm.s32 $0x6500  }
0x25e: {  	[tilespmem:s21], [sflag:$0x1] =	stream.indirect_vreg.gather [hbm4b:s6+s3], $0x80, v4, vm0, $0xb8;
	[tilespmem:$0x1DD00] =	vst v63  }
0x25f: {  	s21 =	simm.s32 $0x6D00  }
0x260: {  	[tilespmem:s21], [sflag:$0x1] =	stream.indirect_vreg.gather [hbm4b:s2+s3], $0x80, v3, vm0, $0xb8;
	[tilespmem:$0x1DD00] =	vst v63  }
0x261: {  	s21 =	simm.s32 $0x7500  }
0x262: {  	[tilespmem:s21], [sflag:$0x1] =	stream.indirect_vreg.gather [hbm4b:s6+s3], $0x80, v3, vm0, $0xb8;
	[tilespmem:$0x1DD00] =	vst v63  }
0x263: {  	v3 =	vld.msk [tilespmem:s14+$0xFFFFFF58], $0x3;
	_ =	sdelay $0x4  }
0x264: {  	v59 =	vshll.u32 v3, $0x2  }
0x265: {  	v3 =	vand.u32 $0x7, v3;
	v4 =	vand.u32 $0xFFFFFFE0, v59  }
0x266: {  	v3 =	vor.u32 v3, v4  }
0x267: {  	v3 =	vperm.xlane v3, v0;
	_ =	sdelay $0x1  }
0x268: {  	v3 =	vadd.s32 v1, v3;
	_ =	sdelay $0x3  }
0x269: {  	s21 =	simm.s32 $0x7D00  }
0x26a: {  	[tilespmem:s21], [sflag:$0x1] =	stream.indirect_vreg.gather [hbm4b:s2+s3], $0x80, v3, vm1, $0xb8;
	[tilespmem:$0x1DD00] =	vst v63  }
0x26b: {  	s21 =	simm.s32 $0x8500  }
0x26c: {  	[tilespmem:s21], [sflag:$0x1] =	stream.indirect_vreg.gather [hbm4b:s6+s3], $0x80, v3, vm1, $0xb8;
	[tilespmem:$0x1DD00] =	vst v63  }
0x26d: {  	v3 =	vld [tilespmem:s14+$0xFFFFFF60];
	_ =	sdelay $0x4  }
0x26e: {  	v60 =	vshll.u32 v3, $0x2  }
0x26f: {  	v3 =	vand.u32 $0x7, v3;
	v4 =	vand.u32 $0xFFFFFFE0, v60  }
0x270: {  	v3 =	vor.u32 v3, v4  }
0x271: {  	v4 =	vperm.xlane v3, v0;
	_ =	sdelay $0x1  }
0x272: {  	v4 =	vadd.s32 v1, v4;
	_ =	sdelay $0x1  }
0x273: {  	v3 =	vperm.xlane v3, v2;
	_ =	sdelay $0x1  }
0x274: {  	s21 =	simm.s32 $0x8D00;
	v3 =	vadd.s32 v1, v3  }
0x275: {  	[tilespmem:s21], [sflag:$0x1] =	stream.indirect_vreg.gather [hbm4b:s2+s3], $0x80, v4, vm0, $0xb8;
	[tilespmem:$0x1DD00] =	vst v63  }
0x276: {  	s21 =	simm.s32 $0x9500  }
0x277: {  	[tilespmem:s21], [sflag:$0x1] =	stream.indirect_vreg.gather [hbm4b:s6+s3], $0x80, v4, vm0, $0xb8;
	[tilespmem:$0x1DD00] =	vst v63  }
0x278: {  	s21 =	simm.s32 $0x9D00  }
0x279: {  	[tilespmem:s21], [sflag:$0x1] =	stream.indirect_vreg.gather [hbm4b:s2+s3], $0x80, v3, vm0, $0xb8;
	[tilespmem:$0x1DD00] =	vst v63  }
0x27a: {  	s21 =	simm.s32 $0xA500  }
0x27b: {  	[tilespmem:s21], [sflag:$0x1] =	stream.indirect_vreg.gather [hbm4b:s6+s3], $0x80, v3, vm0, $0xb8;
	[tilespmem:$0x1DD00] =	vst v63  }
0x27c: {  	v3 =	vld [tilespmem:s14+$0xFFFFFF70];
	_ =	sdelay $0x4  }
0x27d: {  	v61 =	vshll.u32 v3, $0x2  }
0x27e: {  	v3 =	vand.u32 $0x7, v3;
	v4 =	vand.u32 $0xFFFFFFE0, v61  }
0x27f: {  	v3 =	vor.u32 v3, v4  }
0x280: {  	v4 =	vperm.xlane v3, v0;
	_ =	sdelay $0x1  }
0x281: {  	v4 =	vadd.s32 v1, v4;
	_ =	sdelay $0x1  }
0x282: {  	v3 =	vperm.xlane v3, v2;
	_ =	sdelay $0x1  }
0x283: {  	s21 =	simm.s32 $0xAD00;
	v3 =	vadd.s32 v1, v3  }
0x284: {  	[tilespmem:s21], [sflag:$0x1] =	stream.indirect_vreg.gather [hbm4b:s2+s3], $0x80, v4, vm0, $0xb8;
	[tilespmem:$0x1DD00] =	vst v63  }
0x285: {  	s21 =	simm.s32 $0xB500  }
0x286: {  	[tilespmem:s21], [sflag:$0x1] =	stream.indirect_vreg.gather [hbm4b:s6+s3], $0x80, v4, vm0, $0xb8;
	[tilespmem:$0x1DD00] =	vst v63  }
0x287: {  	s21 =	simm.s32 $0xBD00  }
0x288: {  	[tilespmem:s21], [sflag:$0x1] =	stream.indirect_vreg.gather [hbm4b:s2+s3], $0x80, v3, vm0, $0xb8;
	[tilespmem:$0x1DD00] =	vst v63  }
0x289: {  	s21 =	simm.s32 $0xC500  }
0x28a: {  	[tilespmem:s21], [sflag:$0x1] =	stream.indirect_vreg.gather [hbm4b:s6+s3], $0x80, v3, vm0, $0xb8;
	[tilespmem:$0x1DD00] =	vst v63  }
0x28b: {  	v3 =	vld [tilespmem:s14+$0xFFFFFF80];
	_ =	sdelay $0x4  }
0x28c: {  	v62 =	vshll.u32 v3, $0x2  }
0x28d: {  	v3 =	vand.u32 $0x7, v3;
	v4 =	vand.u32 $0xFFFFFFE0, v62  }
0x28e: {  	v3 =	vor.u32 v3, v4  }
0x28f: {  	v4 =	vperm.xlane v3, v0;
	_ =	sdelay $0x1  }
0x290: {  	v4 =	vadd.s32 v1, v4;
	_ =	sdelay $0x1  }
0x291: {  	v3 =	vperm.xlane v3, v2;
	_ =	sdelay $0x1  }
0x292: {  	s21 =	simm.s32 $0xCD00;
	v3 =	vadd.s32 v1, v3  }
0x293: {  	[tilespmem:s21], [sflag:$0x1] =	stream.indirect_vreg.gather [hbm4b:s2+s3], $0x80, v4, vm0, $0xb8;
	[tilespmem:$0x1DD00] =	vst v63  }
0x294: {  	s21 =	simm.s32 $0xD500  }
0x295: {  	[tilespmem:s21], [sflag:$0x1] =	stream.indirect_vreg.gather [hbm4b:s6+s3], $0x80, v4, vm0, $0xb8;
	[tilespmem:$0x1DD00] =	vst v63  }
0x296: {  	s21 =	simm.s32 $0xDD00  }
0x297: {  	[tilespmem:s21], [sflag:$0x1] =	stream.indirect_vreg.gather [hbm4b:s2+s3], $0x80, v3, vm0, $0xb8;
	[tilespmem:$0x1DD00] =	vst v63  }
0x298: {  	s21 =	simm.s32 $0xE500  }
0x299: {  	[tilespmem:s21], [sflag:$0x1] =	stream.indirect_vreg.gather [hbm4b:s6+s3], $0x80, v3, vm0, $0xb8;
	[tilespmem:$0x1DD00] =	vst v63  }
0x29a: {  	v3 =	vld.msk [tilespmem:s14+$0xFFFFFF90], $0x3;
	_ =	sdelay $0x4  }
0x29b: {  	v63 =	vshll.u32 v3, $0x2  }
0x29c: {  	v3 =	vand.u32 $0x7, v3;
	v4 =	vand.u32 $0xFFFFFFE0, v63  }
0x29d: {  	v3 =	vor.u32 v3, v4  }
0x29e: {  	v3 =	vperm.xlane v3, v0;
	_ =	sdelay $0x1  }
0x29f: {  	v3 =	vadd.s32 v1, v3;
	_ =	sdelay $0x3  }
0x2a0: {  	s21 =	simm.s32 $0xED00  }
0x2a1: {  	[tilespmem:s21], [sflag:$0x1] =	stream.indirect_vreg.gather [hbm4b:s2+s3], $0x80, v3, vm1, $0xb8;
	[tilespmem:$0x1DD00] =	vst v63  }
0x2a2: {  	s21 =	simm.s32 $0xF500  }
0x2a3: {  	[tilespmem:s21], [sflag:$0x1] =	stream.indirect_vreg.gather [hbm4b:s6+s3], $0x80, v3, vm1, $0xb8;
	[tilespmem:$0x1DD00] =	vst v63  }
.LBB2_4:
0x2a4: {  	_ =	swait.ge [sflag:s13], $0x6400  }
0x2a5: {  	[sflag:s13] =	ssyncset.done $0x0  }
0x2a6: {  	[sflag:s13] =	ssyncadd.s32 $0xFFFF9C00  }
0x2a7: {  	_ =	swait.ge [sflag:s13], $0x6400  }
0x2a8: {  	[sflag:s13] =	ssyncset.done $0x0  }
.Ltmp3:
0x2a9: {  	s7 =	sadd.s32 $0x1C00, s7;
	[sflag:s13] =	ssyncadd.s32 $0xFFFF9C00;
	(pc) =	sbr.rel @p0 .LBB2_6-.Ltmp3, $4  }
0x2aa: {  	[hbm4b:s7+s3] =	stream.linear.scatter [tilespmem:s30], [sflag:$0x3], $0xE000, $0x38;
	[tilespmem:$0x1DD00] =	vst v63  }
0x2ab: {  	_ =	swait.ge [sflag:s17], $0xE000  }
0x2ac: {  	[sflag:s17] =	ssyncset.done $0x0  }
0x2ad: {  	[sflag:s17] =	ssyncadd.s32 $0xFFFF2000  }
0x2ae: {  	v3 =	vld [tilespmem:s14+$0xFFFFFF98];
	_ =	sdelay $0x4  }
0x2af: {  	v4 =	vshll.u32 v3, $0x2  }
0x2b0: {  	v3 =	vand.u32 $0x7, v3;
	v4 =	vand.u32 $0xFFFFFFE0, v4  }
0x2b1: {  	v3 =	vor.u32 v3, v4  }
0x2b2: {  	v4 =	vperm.xlane v3, v0;
	_ =	sdelay $0x1  }
0x2b3: {  	v4 =	vadd.s32 v1, v4;
	_ =	sdelay $0x1  }
0x2b4: {  	v3 =	vperm.xlane v3, v2;
	_ =	sdelay $0x1  }
0x2b5: {  	v3 =	vadd.s32 v1, v3  }
0x2b6: {  	[tilespmem:s30], [sflag:$0x2] =	stream.indirect_vreg.gather [hbm4b:s2+s3], $0x80, v4, vm0, $0xb8;
	[tilespmem:$0x1DD00] =	vst v63  }
0x2b7: {  	_ = 	snop  }
0x2b8: {  	[tilespmem:s31], [sflag:$0x2] =	stream.indirect_vreg.gather [hbm4b:s6+s3], $0x80, v4, vm0, $0xb8;
	[tilespmem:$0x1DD00] =	vst v63  }
0x2b9: {  	_ = 	snop  }
0x2ba: {  	[tilespmem:s1], [sflag:$0x2] =	stream.indirect_vreg.gather [hbm4b:s2+s3], $0x80, v3, vm0, $0xb8;
	[tilespmem:$0x1DD00] =	vst v63  }
0x2bb: {  	_ = 	snop  }
0x2bc: {  	[tilespmem:s0], [sflag:$0x2] =	stream.indirect_vreg.gather [hbm4b:s6+s3], $0x80, v3, vm0, $0xb8;
	[tilespmem:$0x1DD00] =	vst v63  }
0x2bd: {  	v3 =	vld [tilespmem:s14+$0xFFFFFFA8];
	_ =	sdelay $0x4  }
0x2be: {  	v57 =	vshll.u32 v3, $0x2  }
0x2bf: {  	v3 =	vand.u32 $0x7, v3;
	v4 =	vand.u32 $0xFFFFFFE0, v57  }
0x2c0: {  	v3 =	vor.u32 v3, v4  }
0x2c1: {  	v4 =	vperm.xlane v3, v0;
	_ =	sdelay $0x1  }
0x2c2: {  	v4 =	vadd.s32 v1, v4;
	_ =	sdelay $0x1  }
0x2c3: {  	v3 =	vperm.xlane v3, v2;
	_ =	sdelay $0x1  }
0x2c4: {  	v3 =	vadd.s32 v1, v3  }
0x2c5: {  	[tilespmem:s18], [sflag:$0x2] =	stream.indirect_vreg.gather [hbm4b:s2+s3], $0x80, v4, vm0, $0xb8;
	[tilespmem:$0x1DD00] =	vst v63  }
0x2c6: {  	_ = 	snop  }
0x2c7: {  	[tilespmem:s4], [sflag:$0x2] =	stream.indirect_vreg.gather [hbm4b:s6+s3], $0x80, v4, vm0, $0xb8;
	[tilespmem:$0x1DD00] =	vst v63  }
0x2c8: {  	_ = 	snop  }
0x2c9: {  	[tilespmem:s5], [sflag:$0x2] =	stream.indirect_vreg.gather [hbm4b:s2+s3], $0x80, v3, vm0, $0xb8;
	[tilespmem:$0x1DD00] =	vst v63  }
0x2ca: {  	_ = 	snop  }
0x2cb: {  	[tilespmem:s8], [sflag:$0x2] =	stream.indirect_vreg.gather [hbm4b:s6+s3], $0x80, v3, vm0, $0xb8;
	[tilespmem:$0x1DD00] =	vst v63  }
0x2cc: {  	v3 =	vld [tilespmem:s14+$0xFFFFFFB8];
	_ =	sdelay $0x4  }
0x2cd: {  	v58 =	vshll.u32 v3, $0x2  }
0x2ce: {  	v3 =	vand.u32 $0x7, v3;
	v4 =	vand.u32 $0xFFFFFFE0, v58  }
0x2cf: {  	v3 =	vor.u32 v3, v4  }
0x2d0: {  	v4 =	vperm.xlane v3, v0;
	_ =	sdelay $0x1  }
0x2d1: {  	v4 =	vadd.s32 v1, v4;
	_ =	sdelay $0x1  }
0x2d2: {  	v3 =	vperm.xlane v3, v2;
	_ =	sdelay $0x1  }
0x2d3: {  	s7 =	simm.s32 $0x13D00;
	v3 =	vadd.s32 v1, v3  }
0x2d4: {  	[tilespmem:s7], [sflag:$0x2] =	stream.indirect_vreg.gather [hbm4b:s2+s3], $0x80, v4, vm0, $0xb8;
	[tilespmem:$0x1DD00] =	vst v63  }
0x2d5: {  	s21 =	simm.s32 $0x14500  }
0x2d6: {  	[tilespmem:s21], [sflag:$0x2] =	stream.indirect_vreg.gather [hbm4b:s6+s3], $0x80, v4, vm0, $0xb8;
	[tilespmem:$0x1DD00] =	vst v63  }
0x2d7: {  	s21 =	simm.s32 $0x14D00  }
0x2d8: {  	[tilespmem:s21], [sflag:$0x2] =	stream.indirect_vreg.gather [hbm4b:s2+s3], $0x80, v3, vm0, $0xb8;
	[tilespmem:$0x1DD00] =	vst v63  }
0x2d9: {  	s21 =	simm.s32 $0x15500  }
0x2da: {  	[tilespmem:s21], [sflag:$0x2] =	stream.indirect_vreg.gather [hbm4b:s6+s3], $0x80, v3, vm0, $0xb8;
	[tilespmem:$0x1DD00] =	vst v63  }
0x2db: {  	v3 =	vld.msk [tilespmem:s14+$0xFFFFFFC8], $0x3;
	_ =	sdelay $0x4  }
0x2dc: {  	v59 =	vshll.u32 v3, $0x2  }
0x2dd: {  	v3 =	vand.u32 $0x7, v3;
	v4 =	vand.u32 $0xFFFFFFE0, v59  }
0x2de: {  	v3 =	vor.u32 v3, v4  }
0x2df: {  	v3 =	vperm.xlane v3, v0;
	_ =	sdelay $0x1  }
0x2e0: {  	v3 =	vadd.s32 v1, v3;
	_ =	sdelay $0x3  }
0x2e1: {  	s21 =	simm.s32 $0x15D00  }
0x2e2: {  	[tilespmem:s21], [sflag:$0x2] =	stream.indirect_vreg.gather [hbm4b:s2+s3], $0x80, v3, vm1, $0xb8;
	[tilespmem:$0x1DD00] =	vst v63  }
0x2e3: {  	s21 =	simm.s32 $0x16500  }
0x2e4: {  	[tilespmem:s21], [sflag:$0x2] =	stream.indirect_vreg.gather [hbm4b:s6+s3], $0x80, v3, vm1, $0xb8;
	[tilespmem:$0x1DD00] =	vst v63  }
0x2e5: {  	v3 =	vld [tilespmem:s14+$0xFFFFFFD0];
	_ =	sdelay $0x4  }
0x2e6: {  	v60 =	vshll.u32 v3, $0x2  }
0x2e7: {  	v3 =	vand.u32 $0x7, v3;
	v4 =	vand.u32 $0xFFFFFFE0, v60  }
0x2e8: {  	v3 =	vor.u32 v3, v4  }
0x2e9: {  	v4 =	vperm.xlane v3, v0;
	_ =	sdelay $0x1  }
0x2ea: {  	v4 =	vadd.s32 v1, v4;
	_ =	sdelay $0x1  }
0x2eb: {  	v3 =	vperm.xlane v3, v2;
	_ =	sdelay $0x1  }
0x2ec: {  	s21 =	simm.s32 $0x16D00;
	v3 =	vadd.s32 v1, v3  }
0x2ed: {  	[tilespmem:s21], [sflag:$0x2] =	stream.indirect_vreg.gather [hbm4b:s2+s3], $0x80, v4, vm0, $0xb8;
	[tilespmem:$0x1DD00] =	vst v63  }
0x2ee: {  	s21 =	simm.s32 $0x17500  }
0x2ef: {  	[tilespmem:s21], [sflag:$0x2] =	stream.indirect_vreg.gather [hbm4b:s6+s3], $0x80, v4, vm0, $0xb8;
	[tilespmem:$0x1DD00] =	vst v63  }
0x2f0: {  	s21 =	simm.s32 $0x17D00  }
0x2f1: {  	[tilespmem:s21], [sflag:$0x2] =	stream.indirect_vreg.gather [hbm4b:s2+s3], $0x80, v3, vm0, $0xb8;
	[tilespmem:$0x1DD00] =	vst v63  }
0x2f2: {  	s21 =	simm.s32 $0x18500  }
0x2f3: {  	[tilespmem:s21], [sflag:$0x2] =	stream.indirect_vreg.gather [hbm4b:s6+s3], $0x80, v3, vm0, $0xb8;
	[tilespmem:$0x1DD00] =	vst v63  }
0x2f4: {  	v3 =	vld [tilespmem:s14+$0xFFFFFFE0];
	_ =	sdelay $0x4  }
0x2f5: {  	v61 =	vshll.u32 v3, $0x2  }
0x2f6: {  	v3 =	vand.u32 $0x7, v3;
	v4 =	vand.u32 $0xFFFFFFE0, v61  }
0x2f7: {  	v3 =	vor.u32 v3, v4  }
0x2f8: {  	v4 =	vperm.xlane v3, v0;
	_ =	sdelay $0x1  }
0x2f9: {  	v4 =	vadd.s32 v1, v4;
	_ =	sdelay $0x1  }
0x2fa: {  	v3 =	vperm.xlane v3, v2;
	_ =	sdelay $0x1  }
0x2fb: {  	s21 =	simm.s32 $0x18D00;
	v3 =	vadd.s32 v1, v3  }
0x2fc: {  	[tilespmem:s21], [sflag:$0x2] =	stream.indirect_vreg.gather [hbm4b:s2+s3], $0x80, v4, vm0, $0xb8;
	[tilespmem:$0x1DD00] =	vst v63  }
0x2fd: {  	s21 =	simm.s32 $0x19500  }
0x2fe: {  	[tilespmem:s21], [sflag:$0x2] =	stream.indirect_vreg.gather [hbm4b:s6+s3], $0x80, v4, vm0, $0xb8;
	[tilespmem:$0x1DD00] =	vst v63  }
0x2ff: {  	_ = 	snop  }
0x300: {  	[tilespmem:s22], [sflag:$0x2] =	stream.indirect_vreg.gather [hbm4b:s2+s3], $0x80, v3, vm0, $0xb8;
	[tilespmem:$0x1DD00] =	vst v63  }
0x301: {  	_ = 	snop  }
0x302: {  	[tilespmem:s23], [sflag:$0x2] =	stream.indirect_vreg.gather [hbm4b:s6+s3], $0x80, v3, vm0, $0xb8;
	[tilespmem:$0x1DD00] =	vst v63  }
0x303: {  	v3 =	vld [tilespmem:s14+$0xFFFFFFF0];
	_ =	sdelay $0x4  }
0x304: {  	v62 =	vshll.u32 v3, $0x2  }
0x305: {  	v3 =	vand.u32 $0x7, v3;
	v4 =	vand.u32 $0xFFFFFFE0, v62  }
0x306: {  	v3 =	vor.u32 v3, v4  }
0x307: {  	v4 =	vperm.xlane v3, v0;
	_ =	sdelay $0x1  }
0x308: {  	v4 =	vadd.s32 v1, v4;
	_ =	sdelay $0x1  }
0x309: {  	v3 =	vperm.xlane v3, v2;
	_ =	sdelay $0x1  }
0x30a: {  	v3 =	vadd.s32 v1, v3  }
0x30b: {  	[tilespmem:s24], [sflag:$0x2] =	stream.indirect_vreg.gather [hbm4b:s2+s3], $0x80, v4, vm0, $0xb8;
	[tilespmem:$0x1DD00] =	vst v63  }
0x30c: {  	_ = 	snop  }
0x30d: {  	[tilespmem:s25], [sflag:$0x2] =	stream.indirect_vreg.gather [hbm4b:s6+s3], $0x80, v4, vm0, $0xb8;
	[tilespmem:$0x1DD00] =	vst v63  }
0x30e: {  	_ = 	snop  }
0x30f: {  	[tilespmem:s26], [sflag:$0x2] =	stream.indirect_vreg.gather [hbm4b:s2+s3], $0x80, v3, vm0, $0xb8;
	[tilespmem:$0x1DD00] =	vst v63  }
0x310: {  	_ = 	snop  }
0x311: {  	[tilespmem:s9], [sflag:$0x2] =	stream.indirect_vreg.gather [hbm4b:s6+s3], $0x80, v3, vm0, $0xb8;
	[tilespmem:$0x1DD00] =	vst v63  }
0x312: {  	v3 =	vld.msk [tilespmem:s14+$0x0], $0x3;
	_ =	sdelay $0x4  }
0x313: {  	v63 =	vshll.u32 v3, $0x2  }
0x314: {  	v3 =	vand.u32 $0x7, v3;
	v4 =	vand.u32 $0xFFFFFFE0, v63  }
0x315: {  	v3 =	vor.u32 v3, v4  }
0x316: {  	v3 =	vperm.xlane v3, v0;
	_ =	sdelay $0x1  }
0x317: {  	v3 =	vadd.s32 v1, v3;
	_ =	sdelay $0x2  }
.Ltmp4:
0x318: {  	_ = 	snop;
	(pc) =	sbr.rel .LBB2_2-.Ltmp4, $4  }
0x319: {  	_ = 	snop  }
0x31a: {  	[tilespmem:s10], [sflag:$0x2] =	stream.indirect_vreg.gather [hbm4b:s2+s3], $0x80, v3, vm1, $0xb8;
	[tilespmem:$0x1DD00] =	vst v63  }
0x31b: {  	s15 =	sadd.s32 $0x3800, s15;
	s14 =	sadd.s32 $0xE0, s14  }
0x31c: {  	[tilespmem:s11], [sflag:$0x2] =	stream.indirect_vreg.gather [hbm4b:s6+s3], $0x80, v3, vm1, $0xb8;
	[tilespmem:$0x1DD00] =	vst v63  }
.LBB2_7:
0x31d: {  	_ =	sfence.sel $0x180000  }
0x31e: {  	[bflag:$0x0] =	sbarrier.arrive $0xFFFF  }
0x31f: {  	_ =	strace $0x90000047  }
0x320: {  	s0 =	stileid.u32;
	[bflag:$0x2] =	sbarrier.arrive $0xFFFF  }
0x321: {  	p0 =	sne.s32 s0, $0x0;
	s0 =	rddreg [dreg:$0x3]  }
0x322: {  	s0 =	sadd.s32 @!p0 $0x100000, s0  }
0x323: {  	[sflag:s0] =	ssyncadd.tile.s32 @!p0 $0x1;
	_ =	shalt  }
.Lfunc_end2:
_tile_overlayer_lowered:
.L_overlay_start_2:
0x324: {  	(tag) =	ssettag $0x2  }
0x325: {  	s0 =	rddreg [dreg:$0x0];
	s2 =	stileid.u32  }
0x326: {  	s1 =	rddreg [dreg:$0x1];
	p0 =	sne.s32 s2, $0x0  }
0x327: {  	s3 =	rddreg [dreg:$0x2];
	[bflag:$0x3] =	sbarrier.arrive $0xFFFF;
	s2 =	simm.s32 @!p0 $0x1C03  }
0x328: {  	[timem:s3], [sflag:s2] =	dma.local @!p0 [hbm:s0], s1  }
0x329: {  	s0 =	simm.s32 @!p0 $0x3  }
0x32a: {  	_ =	swait.ge @!p0 [sflag:s0], s1  }
0x32b: {  	s1 =	ssub.s32 @!p0 $0x0, s1;
	[sflag:s0] =	ssyncset.done @!p0 $0x0  }
0x32c: {  	[sflag:s0] =	ssyncadd.s32 @!p0 s1  }
0x32d: {  	[bflag:$0x3] =	sbarrier.arrive $0xFFFF  }
0x32e: {  	_ =	shalt  }

</sc_bundles>
